<compile_context>
chip_gen: v7x
topology: tpu7x:2x2x1
jax: 0.10.2.dev20260603
libtpu: 0.0.44.dev20260713+nightly
codegen_flags: <defaults>
</compile_context>

<pallas_src>
import jax
import jax.numpy as jnp
from jax import lax
from jax.experimental import pallas as pl
from jax.experimental.pallas import tpu as pltpu
from jax.experimental.pallas import tpu_sc as plsc

N = 10000
E = 160000
IN_DIM = 256
OUT_DIM = 256
NUM_RELS = 16
NUM_BASES = 4

NC = 2
NS = 16
HALF = OUT_DIM // 2

BN = 2000
NB = N // BN

E_PER = E // NS
CH = 80
NCHUNK = E_PER // CH

WB_TILES = 10
WB_ROWS = N // WB_TILES

EROWS = E // 128


def _table_kernel(wc_ref, x_ref, w_ref, slw_ref, ei_ref, et_ref,
                  out_ref, curr_ref, packed_ref, wall_ref, xb_ref):
    nb = pl.program_id(0)
    r = pl.program_id(1)

    @pl.when(nb == 0)
    def _():
        w = (wc_ref[r, 0] * w_ref[0] + wc_ref[r, 1] * w_ref[1]
             + wc_ref[r, 2] * w_ref[2] + wc_ref[r, 3] * w_ref[3])
        wall_ref[r] = w.astype(jnp.bfloat16)

    @pl.when(r == 0)
    def _():
        xb_ref[...] = x_ref[...].astype(jnp.bfloat16)

    @pl.when((nb == 0) & (r == 1))
    def _():
        packed_ref[...] = (ei_ref[0] | (ei_ref[1] << 14)
                           | (et_ref[...] << 28))

    zz = jnp.dot(xb_ref[...], wall_ref[r], preferred_element_type=jnp.float32)
    out_ref[0] = zz[:, :HALF]
    out_ref[1] = zz[:, HALF:]

    @pl.when(r == 0)
    def _():
        cur = jnp.dot(xb_ref[...], slw_ref[...].astype(jnp.bfloat16),
                      preferred_element_type=jnp.float32)
        curr_ref[0] = cur[:, :HALF]
        curr_ref[1] = cur[:, HALF:]


def _build_table(x, weight, w_comp, self_loop_weight, edge_index, edge_type):
    return pl.pallas_call(
        _table_kernel,
        grid=(NB, NUM_RELS),
        in_specs=[
            pl.BlockSpec(memory_space=pltpu.SMEM),
            pl.BlockSpec((BN, IN_DIM), lambda nb, r: (nb, 0)),
            pl.BlockSpec((NUM_BASES, IN_DIM, OUT_DIM), lambda nb, r: (0, 0, 0)),
            pl.BlockSpec((IN_DIM, OUT_DIM), lambda nb, r: (0, 0)),
            pl.BlockSpec((2, EROWS, 128), lambda nb, r: (0, 0, 0)),
            pl.BlockSpec((EROWS, 128), lambda nb, r: (0, 0)),
        ],
        out_specs=[
            pl.BlockSpec((NC, BN, HALF), lambda nb, r: (r, nb, 0)),
            pl.BlockSpec((NC, BN, HALF), lambda nb, r: (0, nb, 0)),
            pl.BlockSpec((EROWS, 128), lambda nb, r: (0, 0)),
        ],
        out_shape=[
            jax.ShapeDtypeStruct((NUM_RELS * NC, N, HALF), jnp.float32),
            jax.ShapeDtypeStruct((NC, N, HALF), jnp.float32),
            jax.ShapeDtypeStruct((EROWS, 128), jnp.int32),
        ],
        scratch_shapes=[
            pltpu.VMEM((NUM_RELS, IN_DIM, OUT_DIM), jnp.bfloat16),
            pltpu.VMEM((BN, IN_DIM), jnp.bfloat16),
        ],
    )(w_comp, x, weight, self_loop_weight,
      edge_index.reshape(2, EROWS, 128), edge_type.reshape(EROWS, 128))


def _sc_body(table_hbm, packed_hbm, curr_hbm, out_hbm,
             ebufs, idxbufs, dstbufs, rowbufs, agg, se, sg, ss):
    c = lax.axis_index("c")
    s = lax.axis_index("s")

    @pl.when(s < WB_TILES)
    def _():
        sl_init = pl.ds(s * WB_ROWS, WB_ROWS)
        pltpu.sync_copy(curr_hbm.at[c, sl_init], agg.at[sl_init])

    ebase = pl.multiple_of(s * E_PER, 8)

    def eload(j, q):
        pltpu.async_copy(packed_hbm.at[pl.ds(ebase + j * CH, CH)],
                         ebufs[q], se[q])

    def wait_eload(j, q):
        pltpu.make_async_copy(packed_hbm.at[pl.ds(ebase + j * CH, CH)],
                              ebufs[q], se[q]).wait()

    def unpack(q):
        for k in range(CH // 16):
            sl = pl.ds(k * 16, 16)
            v = ebufs[q][sl]
            srcv = v & 0x3FFF
            dstv = lax.shift_right_logical(v, 14) & 0x3FFF
            etv = lax.shift_right_logical(v, 28)
            idxbufs[q][sl] = (etv * NC + c) * N + srcv
            dstbufs[q][sl] = dstv

    def gather(j, q):
        pltpu.async_copy(table_hbm.at[idxbufs[q]], rowbufs[q], sg[q])

    def wait_gather(j, q):
        pltpu.make_async_copy(table_hbm.at[idxbufs[q]], rowbufs[q],
                              sg[q]).wait()

    def scatter(j, q):
        pltpu.async_copy(rowbufs[q], agg.at[dstbufs[q]], ss[q], add=True)

    def wait_scatter(j, q):
        pltpu.make_async_copy(rowbufs[q], agg.at[dstbufs[q]], ss[q]).wait()

    for j in range(4):
        eload(j, j)
    plsc.subcore_barrier()

    for j in range(2):
        wait_eload(j, j)
        unpack(j)
        gather(j, j)

    def quad(t, _):
        for q in range(4):
            j = t * 4 + q
            wait_gather(j, q)
            scatter(j, q)
            p2 = (q + 2) % 4

            @pl.when(j >= 2)
            def _():
                wait_scatter(j - 2, p2)

            @pl.when(j + 2 < NCHUNK)
            def _():
                wait_eload(j + 2, p2)
                unpack(p2)
                gather(j + 2, p2)

            @pl.when(j + 4 < NCHUNK)
            def _():
                eload(j + 4, q)
        return ()

    lax.fori_loop(0, NCHUNK // 4, quad, (), unroll=False)
    j = NCHUNK - 1
    wait_gather(j, 0)
    scatter(j, 0)
    wait_scatter(j - 2, 2)
    wait_scatter(j - 1, 3)
    wait_scatter(j, 0)
    plsc.subcore_barrier()

    @pl.when(s < WB_TILES)
    def _():
        sl_out = pl.ds(s * WB_ROWS, WB_ROWS)
        pltpu.sync_copy(agg.at[sl_out],
                        out_hbm.at[sl_out, pl.ds(c * HALF, HALF)])


def _sc_aggregate(table, packed, curr):
    mesh = plsc.VectorSubcoreMesh(core_axis_name="c", subcore_axis_name="s")
    kern = pl.kernel(
        _sc_body,
        out_type=jax.ShapeDtypeStruct((N, OUT_DIM), jnp.float32),
        mesh=mesh,
        scratch_types=[
            [pltpu.VMEM((CH,), jnp.int32) for _ in range(4)],
            [pltpu.VMEM((CH,), jnp.int32) for _ in range(4)],
            [pltpu.VMEM((CH,), jnp.int32) for _ in range(4)],
            [pltpu.VMEM((CH, HALF), jnp.float32) for _ in range(4)],
            pltpu.VMEM_SHARED((N, HALF), jnp.float32),
            [pltpu.SemaphoreType.DMA for _ in range(4)],
            [pltpu.SemaphoreType.DMA for _ in range(4)],
            [pltpu.SemaphoreType.DMA for _ in range(4)],
        ],
    )
    return kern(table, packed, curr)


def kernel(x, edge_index, edge_type, weight, w_comp, self_loop_weight):
    table, curr, packed = _build_table(x, weight, w_comp, self_loop_weight,
                                       edge_index, edge_type)
    return _sc_aggregate(table.reshape(NUM_RELS * NC * N, HALF),
                         packed.reshape(E), curr)

# --- scband reference (transcript-rebuilt; emitter-appended) ---
"""Pipeline reference for scband-rgcnbasis-layer-32959579030023 (READ-ONLY COPY).

The authoritative reference and input builder live on the scoring server;
editing this copy changes nothing except your own understanding.
"""

import jax, jax.numpy as jnp
import numpy as np

N = 10000
E = 160000
IN_DIM = 256
OUT_DIM = 256
NUM_RELS = 16
NUM_BASES = 4


def _xavier(key, shape):
    fan_in, fan_out = shape[-2], shape[-1]
    gain = np.sqrt(2.0)  # relu gain, matching nn.init.calculate_gain('relu')
    limit = gain * np.sqrt(6.0 / (fan_in + fan_out))
    return jax.random.uniform(key, shape, dtype=jnp.float32, minval=-limit, maxval=limit)


def setup_inputs(seed: int = 0) -> dict:
    key = jax.random.key(seed)
    k1, k2, k3, k4, k5, k6 = jax.random.split(key, 6)
    x = jax.random.normal(k1, (N, IN_DIM), dtype=jnp.float32)
    edge_index = jax.random.randint(k2, (2, E), 0, N, dtype=jnp.int32)
    edge_type = jax.random.randint(k3, (E,), 0, NUM_RELS, dtype=jnp.int32)
    weight = _xavier(k4, (NUM_BASES, IN_DIM, OUT_DIM))
    w_comp = _xavier(k5, (NUM_RELS, NUM_BASES))
    self_loop_weight = _xavier(k6, (IN_DIM, OUT_DIM))
    return {
        'x': x,
        'edge_index': edge_index,
        'edge_type': edge_type,
        'weight': weight,
        'w_comp': w_comp,
        'self_loop_weight': self_loop_weight,
    }


def reference(x, edge_index, edge_type, weight, w_comp, self_loop_weight):
    # Basis decomposition: rel_weight[r] = sum_b w_comp[r, b] * weight[b]
    num_bases, in_dim, out_dim = weight.shape
    num_rels = w_comp.shape[0]
    rel_weight = jnp.matmul(w_comp, weight.reshape(num_bases, in_dim * out_dim))
    rel_weight = rel_weight.reshape(num_rels, in_dim, out_dim)

    src = edge_index[0]
    dst = edge_index[1]

    # msg_func: per-edge bmm(src_feat[1, in], w[in, out]) -> [E, out]
    w = rel_weight[edge_type]                       # gather [E, in, out]
    src_feat = x[src]                               # gather [E, in]
    msg = jnp.einsum('ei,eio->eo', src_feat, w)     # [E, out]

    # has_attn=False -> alpha = 1; edge_dropout = Identity (eval mode)
    # Aggregator (GraIL SumAggregator): h = curr_emb + sum of incoming msgs
    agg = jax.ops.segment_sum(msg, dst, num_segments=x.shape[0])  # scatter-add [N, out]
    curr_emb = jnp.matmul(x, self_loop_weight)      # self-loop term [N, out]
    h = curr_emb + agg
    # node_update: bias=None, activation=None -> identity
    return h

if __name__ == "__main__":
    import jax
    _d = setup_inputs()
    print(jax.jit(kernel)(*tuple(_d.values())))

</pallas_src>

<mosaic_0001>
#map = affine_map<(d0, d1) -> (0, 0)>
#map1 = affine_map<(d0, d1) -> (0)>
#map2 = affine_map<(d0, d1) -> (0, 0, 0)>
module attributes {stable_mosaic.version = 14 : i64} {
  func.func @_sc_body(%arg0: i32, %arg1: i32, %arg2: memref<320000x128xf32, #tpu.memory_space<hbm>>, %arg3: memref<160000xi32, #tpu.memory_space<hbm>>, %arg4: memref<2x10000x128xf32, #tpu.memory_space<hbm>>, %arg5: memref<10000x256xf32, #tpu.memory_space<hbm>>, %arg6: memref<80xi32, #tpu.memory_space<vmem>>, %arg7: memref<80xi32, #tpu.memory_space<vmem>>, %arg8: memref<80xi32, #tpu.memory_space<vmem>>, %arg9: memref<80xi32, #tpu.memory_space<vmem>>, %arg10: memref<80xi32, #tpu.memory_space<vmem>>, %arg11: memref<80xi32, #tpu.memory_space<vmem>>, %arg12: memref<80xi32, #tpu.memory_space<vmem>>, %arg13: memref<80xi32, #tpu.memory_space<vmem>>, %arg14: memref<80xi32, #tpu.memory_space<vmem>>, %arg15: memref<80xi32, #tpu.memory_space<vmem>>, %arg16: memref<80xi32, #tpu.memory_space<vmem>>, %arg17: memref<80xi32, #tpu.memory_space<vmem>>, %arg18: memref<80x128xf32, #tpu.memory_space<vmem>>, %arg19: memref<80x128xf32, #tpu.memory_space<vmem>>, %arg20: memref<80x128xf32, #tpu.memory_space<vmem>>, %arg21: memref<80x128xf32, #tpu.memory_space<vmem>>, %arg22: memref<10000x128xf32, #tpu.memory_space<vmem_shared>>, %arg23: memref<!tpu.dma_semaphore, #tpu.memory_space<semaphore_mem>>, %arg24: memref<!tpu.dma_semaphore, #tpu.memory_space<semaphore_mem>>, %arg25: memref<!tpu.dma_semaphore, #tpu.memory_space<semaphore_mem>>, %arg26: memref<!tpu.dma_semaphore, #tpu.memory_space<semaphore_mem>>, %arg27: memref<!tpu.dma_semaphore, #tpu.memory_space<semaphore_mem>>, %arg28: memref<!tpu.dma_semaphore, #tpu.memory_space<semaphore_mem>>, %arg29: memref<!tpu.dma_semaphore, #tpu.memory_space<semaphore_mem>>, %arg30: memref<!tpu.dma_semaphore, #tpu.memory_space<semaphore_mem>>, %arg31: memref<!tpu.dma_semaphore, #tpu.memory_space<semaphore_mem>>, %arg32: memref<!tpu.dma_semaphore, #tpu.memory_space<semaphore_mem>>, %arg33: memref<!tpu.dma_semaphore, #tpu.memory_space<semaphore_mem>>, %arg34: memref<!tpu.dma_semaphore, #tpu.memory_space<semaphore_mem>>) attributes {dimension_semantics = [#tpu.dimension_semantics<core_parallel>, #tpu.dimension_semantics<subcore_parallel>], iteration_bounds = array<i64: 2, 16>, scalar_prefetch = 0 : i64, scratch_operands = 29 : i64, tpu.core_type = #tpu.core_type<sc_vector_subcore>, window_params = [{transform_indices = #map}, {transform_indices = #map1}, {transform_indices = #map2}, {transform_indices = #map}]} {
    %lt3A = arith.constant 10 : i32
    %lt3A_0 = arith.cmpi slt, %arg1, %lt3A : i32
    %convert_element_type3A = arith.extui %lt3A_0 : i1 to i32
    %cond3A = arith.constant 0 : i32
    %cond3A_1 = arith.cmpi ne, %convert_element_type3A, %cond3A : i32
    scf.if %cond3A_1 {
      %mul3A_371 = arith.constant 1000 : i32
      %mul3A_372 = arith.muli %arg1, %mul3A_371 : i32
      "tpu.region"() ({
        %run_scoped3A = tpu.sem_alloc : memref<!tpu.dma_semaphore, #tpu.memory_space<semaphore_mem>>
        %dma_start3A_373 = arith.constant 0 : i32
        %dma_start3A_374 = tpu.memref_slice %arg22[%mul3A_372, %dma_start3A_373] : memref<10000x128xf32, #tpu.memory_space<vmem_shared>> -> memref<1000x128xf32, #tpu.memory_space<vmem_shared>>
        %dma_start3A_375 = arith.constant 0 : i32
        %dma_start3A_376 = tpu.memref_slice %arg4[%arg0, %mul3A_372, %dma_start3A_375] : memref<2x10000x128xf32, #tpu.memory_space<hbm>> -> memref<1x1000x128xf32, #tpu.memory_space<hbm>>
        %dma_start3A_377 = tpu.memref_squeeze %dma_start3A_376 : memref<1x1000x128xf32, #tpu.memory_space<hbm>> -> memref<1000x128xf32, #tpu.memory_space<hbm>>
        tpu.enqueue_dma source(%dma_start3A_377 : memref<1000x128xf32, #tpu.memory_space<hbm>>) target(%dma_start3A_374 : memref<1000x128xf32, #tpu.memory_space<vmem_shared>>) target_semaphore(%run_scoped3A : memref<!tpu.dma_semaphore, #tpu.memory_space<semaphore_mem>>)
        %dma_wait3A_378 = arith.constant 0 : i32
        %dma_wait3A_379 = tpu.memref_slice %arg22[%mul3A_372, %dma_wait3A_378] : memref<10000x128xf32, #tpu.memory_space<vmem_shared>> -> memref<1000x128xf32, #tpu.memory_space<vmem_shared>>
        %dma_wait3A_380 = arith.constant 0 : i32
        %dma_wait3A_381 = tpu.memref_slice %arg4[%arg0, %mul3A_372, %dma_wait3A_380] : memref<2x10000x128xf32, #tpu.memory_space<hbm>> -> memref<1x1000x128xf32, #tpu.memory_space<hbm>>
        %dma_wait3A_382 = tpu.memref_squeeze %dma_wait3A_381 : memref<1x1000x128xf32, #tpu.memory_space<hbm>> -> memref<1000x128xf32, #tpu.memory_space<hbm>>
        tpu.wait_dma2 semaphore(%run_scoped3A : memref<!tpu.dma_semaphore, #tpu.memory_space<semaphore_mem>>) src(%dma_wait3A_382 : memref<1000x128xf32, #tpu.memory_space<hbm>>) dst(%dma_wait3A_379 : memref<1000x128xf32, #tpu.memory_space<vmem_shared>>)
        tpu.yield
      }) : () -> ()
    } else {
    }
    %mul3A = arith.constant 10000 : i32
    %mul3A_2 = arith.muli %arg1, %mul3A : i32
    %multiple_of3A = tpu.assume_multiple %mul3A_2, 8 : i32
    %add3A = arith.constant 0 : i32
    %add3A_3 = arith.addi %multiple_of3A, %add3A : i32
    %dma_start3A = tpu.memref_slice %arg3[%add3A_3] : memref<160000xi32, #tpu.memory_space<hbm>> -> memref<80xi32, #tpu.memory_space<hbm>>
    %dma_start3A_4 = tpu.memref_slice %arg3[%add3A_3] : memref<160000xi32, #tpu.memory_space<hbm>> -> memref<80xi32, #tpu.memory_space<hbm>>
    tpu.enqueue_dma source(%dma_start3A_4 : memref<80xi32, #tpu.memory_space<hbm>>) target(%arg6 : memref<80xi32, #tpu.memory_space<vmem>>) target_semaphore(%arg23 : memref<!tpu.dma_semaphore, #tpu.memory_space<semaphore_mem>>)
    %add3A_5 = arith.constant 80 : i32
    %add3A_6 = arith.addi %multiple_of3A, %add3A_5 : i32
    %dma_start3A_7 = tpu.memref_slice %arg3[%add3A_6] : memref<160000xi32, #tpu.memory_space<hbm>> -> memref<80xi32, #tpu.memory_space<hbm>>
    %dma_start3A_8 = tpu.memref_slice %arg3[%add3A_6] : memref<160000xi32, #tpu.memory_space<hbm>> -> memref<80xi32, #tpu.memory_space<hbm>>
    tpu.enqueue_dma source(%dma_start3A_8 : memref<80xi32, #tpu.memory_space<hbm>>) target(%arg7 : memref<80xi32, #tpu.memory_space<vmem>>) target_semaphore(%arg24 : memref<!tpu.dma_semaphore, #tpu.memory_space<semaphore_mem>>)
    %add3A_9 = arith.constant 160 : i32
    %add3A_10 = arith.addi %multiple_of3A, %add3A_9 : i32
    %dma_start3A_11 = tpu.memref_slice %arg3[%add3A_10] : memref<160000xi32, #tpu.memory_space<hbm>> -> memref<80xi32, #tpu.memory_space<hbm>>
    %dma_start3A_12 = tpu.memref_slice %arg3[%add3A_10] : memref<160000xi32, #tpu.memory_space<hbm>> -> memref<80xi32, #tpu.memory_space<hbm>>
    tpu.enqueue_dma source(%dma_start3A_12 : memref<80xi32, #tpu.memory_space<hbm>>) target(%arg8 : memref<80xi32, #tpu.memory_space<vmem>>) target_semaphore(%arg25 : memref<!tpu.dma_semaphore, #tpu.memory_space<semaphore_mem>>)
    %add3A_13 = arith.constant 240 : i32
    %add3A_14 = arith.addi %multiple_of3A, %add3A_13 : i32
    %dma_start3A_15 = tpu.memref_slice %arg3[%add3A_14] : memref<160000xi32, #tpu.memory_space<hbm>> -> memref<80xi32, #tpu.memory_space<hbm>>
    %dma_start3A_16 = tpu.memref_slice %arg3[%add3A_14] : memref<160000xi32, #tpu.memory_space<hbm>> -> memref<80xi32, #tpu.memory_space<hbm>>
    tpu.enqueue_dma source(%dma_start3A_16 : memref<80xi32, #tpu.memory_space<hbm>>) target(%arg9 : memref<80xi32, #tpu.memory_space<vmem>>) target_semaphore(%arg26 : memref<!tpu.dma_semaphore, #tpu.memory_space<semaphore_mem>>)
    %barrier3A = arith.constant 0 : index
    tpu.barrier barrier_id(%barrier3A)
    %add3A_17 = arith.constant 0 : i32
    %add3A_18 = arith.addi %multiple_of3A, %add3A_17 : i32
    %dma_wait3A = tpu.memref_slice %arg3[%add3A_18] : memref<160000xi32, #tpu.memory_space<hbm>> -> memref<80xi32, #tpu.memory_space<hbm>>
    %dma_wait3A_19 = tpu.memref_slice %arg3[%add3A_18] : memref<160000xi32, #tpu.memory_space<hbm>> -> memref<80xi32, #tpu.memory_space<hbm>>
    tpu.wait_dma2 semaphore(%arg23 : memref<!tpu.dma_semaphore, #tpu.memory_space<semaphore_mem>>) src(%dma_wait3A_19 : memref<80xi32, #tpu.memory_space<hbm>>) dst(%arg6 : memref<80xi32, #tpu.memory_space<vmem>>)
    %get3A = arith.constant 0 : index
    %get3A_20 = tpu.vector_load %arg6[%get3A] {strides = array<i32>} : memref<80xi32, #tpu.memory_space<vmem>>, vector<16xi32>,
    %get3A_21 = vector.shape_cast %get3A_20 : vector<16xi32> to vector<16xi32>
    %and3A = arith.constant 16383 : i32
    %and3A_22 = vector.broadcast %and3A : i32 to vector<16xi32>
    %and3A_23 = arith.andi %get3A_21, %and3A_22 : vector<16xi32>
    %shift_right_logical3A = arith.constant 14 : i32
    %shift_right_logical3A_24 = vector.broadcast %shift_right_logical3A : i32 to vector<16xi32>
    %shift_right_logical3A_25 = arith.shrui %get3A_21, %shift_right_logical3A_24 : vector<16xi32>
    %and3A_26 = arith.constant 16383 : i32
    %and3A_27 = vector.broadcast %and3A_26 : i32 to vector<16xi32>
    %and3A_28 = arith.andi %shift_right_logical3A_25, %and3A_27 : vector<16xi32>
    %shift_right_logical3A_29 = arith.constant 28 : i32
    %shift_right_logical3A_30 = vector.broadcast %shift_right_logical3A_29 : i32 to vector<16xi32>
    %shift_right_logical3A_31 = arith.shrui %get3A_21, %shift_right_logical3A_30 : vector<16xi32>
    %mul3A_32 = arith.constant 2 : i32
    %mul3A_33 = vector.broadcast %mul3A_32 : i32 to vector<16xi32>
    %mul3A_34 = arith.muli %shift_right_logical3A_31, %mul3A_33 : vector<16xi32>
    %add3A_35 = vector.broadcast %arg0 : i32 to vector<16xi32>
    %add3A_36 = arith.addi %mul3A_34, %add3A_35 : vector<16xi32>
    %mul3A_37 = arith.constant 10000 : i32
    %mul3A_38 = vector.broadcast %mul3A_37 : i32 to vector<16xi32>
    %mul3A_39 = arith.muli %add3A_36, %mul3A_38 : vector<16xi32>
    %add3A_40 = arith.addi %mul3A_39, %and3A_23 : vector<16xi32>
    %swap3A = arith.constant 0 : index
    %swap3A_41 = tpu.vector_load %arg10[%swap3A] {strides = array<i32>} : memref<80xi32, #tpu.memory_space<vmem>>, vector<16xi32>,
    %swap3A_42 = vector.shape_cast %swap3A_41 : vector<16xi32> to vector<16xi32>
    %swap3A_43 = vector.shape_cast %add3A_40 : vector<16xi32> to vector<16xi32>
    tpu.vector_store %arg10[%swap3A], %swap3A_43 {strides = array<i32>} : memref<80xi32, #tpu.memory_space<vmem>>, vector<16xi32>,
    %swap3A_44 = arith.constant 0 : index
    %swap3A_45 = tpu.vector_load %arg14[%swap3A_44] {strides = array<i32>} : memref<80xi32, #tpu.memory_space<vmem>>, vector<16xi32>,
    %swap3A_46 = vector.shape_cast %swap3A_45 : vector<16xi32> to vector<16xi32>
    %swap3A_47 = vector.shape_cast %and3A_28 : vector<16xi32> to vector<16xi32>
    tpu.vector_store %arg14[%swap3A_44], %swap3A_47 {strides = array<i32>} : memref<80xi32, #tpu.memory_space<vmem>>, vector<16xi32>,
    %get3A_48 = arith.constant 16 : index
    %get3A_49 = tpu.vector_load %arg6[%get3A_48] {strides = array<i32>} : memref<80xi32, #tpu.memory_space<vmem>>, vector<16xi32>,
    %get3A_50 = vector.shape_cast %get3A_49 : vector<16xi32> to vector<16xi32>
    %and3A_51 = arith.constant 16383 : i32
    %and3A_52 = vector.broadcast %and3A_51 : i32 to vector<16xi32>
    %and3A_53 = arith.andi %get3A_50, %and3A_52 : vector<16xi32>
    %shift_right_logical3A_54 = arith.constant 14 : i32
    %shift_right_logical3A_55 = vector.broadcast %shift_right_logical3A_54 : i32 to vector<16xi32>
    %shift_right_logical3A_56 = arith.shrui %get3A_50, %shift_right_logical3A_55 : vector<16xi32>
    %and3A_57 = arith.constant 16383 : i32
    %and3A_58 = vector.broadcast %and3A_57 : i32 to vector<16xi32>
    %and3A_59 = arith.andi %shift_right_logical3A_56, %and3A_58 : vector<16xi32>
    %shift_right_logical3A_60 = arith.constant 28 : i32
    %shift_right_logical3A_61 = vector.broadcast %shift_right_logical3A_60 : i32 to vector<16xi32>
    %shift_right_logical3A_62 = arith.shrui %get3A_50, %shift_right_logical3A_61 : vector<16xi32>
    %mul3A_63 = arith.constant 2 : i32
    %mul3A_64 = vector.broadcast %mul3A_63 : i32 to vector<16xi32>
    %mul3A_65 = arith.muli %shift_right_logical3A_62, %mul3A_64 : vector<16xi32>
    %add3A_66 = vector.broadcast %arg0 : i32 to vector<16xi32>
    %add3A_67 = arith.addi %mul3A_65, %add3A_66 : vector<16xi32>
    %mul3A_68 = arith.constant 10000 : i32
    %mul3A_69 = vector.broadcast %mul3A_68 : i32 to vector<16xi32>
    %mul3A_70 = arith.muli %add3A_67, %mul3A_69 : vector<16xi32>
    %add3A_71 = arith.addi %mul3A_70, %and3A_53 : vector<16xi32>
    %swap3A_72 = arith.constant 16 : index
    %swap3A_73 = tpu.vector_load %arg10[%swap3A_72] {strides = array<i32>} : memref<80xi32, #tpu.memory_space<vmem>>, vector<16xi32>,
    %swap3A_74 = vector.shape_cast %swap3A_73 : vector<16xi32> to vector<16xi32>
    %swap3A_75 = vector.shape_cast %add3A_71 : vector<16xi32> to vector<16xi32>
    tpu.vector_store %arg10[%swap3A_72], %swap3A_75 {strides = array<i32>} : memref<80xi32, #tpu.memory_space<vmem>>, vector<16xi32>,
    %swap3A_76 = arith.constant 16 : index
    %swap3A_77 = tpu.vector_load %arg14[%swap3A_76] {strides = array<i32>} : memref<80xi32, #tpu.memory_space<vmem>>, vector<16xi32>,
    %swap3A_78 = vector.shape_cast %swap3A_77 : vector<16xi32> to vector<16xi32>
    %swap3A_79 = vector.shape_cast %and3A_59 : vector<16xi32> to vector<16xi32>
    tpu.vector_store %arg14[%swap3A_76], %swap3A_79 {strides = array<i32>} : memref<80xi32, #tpu.memory_space<vmem>>, vector<16xi32>,
    %get3A_80 = arith.constant 32 : index
    %get3A_81 = tpu.vector_load %arg6[%get3A_80] {strides = array<i32>} : memref<80xi32, #tpu.memory_space<vmem>>, vector<16xi32>,
    %get3A_82 = vector.shape_cast %get3A_81 : vector<16xi32> to vector<16xi32>
    %and3A_83 = arith.constant 16383 : i32
    %and3A_84 = vector.broadcast %and3A_83 : i32 to vector<16xi32>
    %and3A_85 = arith.andi %get3A_82, %and3A_84 : vector<16xi32>
    %shift_right_logical3A_86 = arith.constant 14 : i32
    %shift_right_logical3A_87 = vector.broadcast %shift_right_logical3A_86 : i32 to vector<16xi32>
    %shift_right_logical3A_88 = arith.shrui %get3A_82, %shift_right_logical3A_87 : vector<16xi32>
    %and3A_89 = arith.constant 16383 : i32
    %and3A_90 = vector.broadcast %and3A_89 : i32 to vector<16xi32>
    %and3A_91 = arith.andi %shift_right_logical3A_88, %and3A_90 : vector<16xi32>
    %shift_right_logical3A_92 = arith.constant 28 : i32
    %shift_right_logical3A_93 = vector.broadcast %shift_right_logical3A_92 : i32 to vector<16xi32>
    %shift_right_logical3A_94 = arith.shrui %get3A_82, %shift_right_logical3A_93 : vector<16xi32>
    %mul3A_95 = arith.constant 2 : i32
    %mul3A_96 = vector.broadcast %mul3A_95 : i32 to vector<16xi32>
    %mul3A_97 = arith.muli %shift_right_logical3A_94, %mul3A_96 : vector<16xi32>
    %add3A_98 = vector.broadcast %arg0 : i32 to vector<16xi32>
    %add3A_99 = arith.addi %mul3A_97, %add3A_98 : vector<16xi32>
    %mul3A_100 = arith.constant 10000 : i32
    %mul3A_101 = vector.broadcast %mul3A_100 : i32 to vector<16xi32>
    %mul3A_102 = arith.muli %add3A_99, %mul3A_101 : vector<16xi32>
    %add3A_103 = arith.addi %mul3A_102, %and3A_85 : vector<16xi32>
    %swap3A_104 = arith.constant 32 : index
    %swap3A_105 = tpu.vector_load %arg10[%swap3A_104] {strides = array<i32>} : memref<80xi32, #tpu.memory_space<vmem>>, vector<16xi32>,
    %swap3A_106 = vector.shape_cast %swap3A_105 : vector<16xi32> to vector<16xi32>
    %swap3A_107 = vector.shape_cast %add3A_103 : vector<16xi32> to vector<16xi32>
    tpu.vector_store %arg10[%swap3A_104], %swap3A_107 {strides = array<i32>} : memref<80xi32, #tpu.memory_space<vmem>>, vector<16xi32>,
    %swap3A_108 = arith.constant 32 : index
    %swap3A_109 = tpu.vector_load %arg14[%swap3A_108] {strides = array<i32>} : memref<80xi32, #tpu.memory_space<vmem>>, vector<16xi32>,
    %swap3A_110 = vector.shape_cast %swap3A_109 : vector<16xi32> to vector<16xi32>
    %swap3A_111 = vector.shape_cast %and3A_91 : vector<16xi32> to vector<16xi32>
    tpu.vector_store %arg14[%swap3A_108], %swap3A_111 {strides = array<i32>} : memref<80xi32, #tpu.memory_space<vmem>>, vector<16xi32>,
    %get3A_112 = arith.constant 48 : index
    %get3A_113 = tpu.vector_load %arg6[%get3A_112] {strides = array<i32>} : memref<80xi32, #tpu.memory_space<vmem>>, vector<16xi32>,
    %get3A_114 = vector.shape_cast %get3A_113 : vector<16xi32> to vector<16xi32>
    %and3A_115 = arith.constant 16383 : i32
    %and3A_116 = vector.broadcast %and3A_115 : i32 to vector<16xi32>
    %and3A_117 = arith.andi %get3A_114, %and3A_116 : vector<16xi32>
    %shift_right_logical3A_118 = arith.constant 14 : i32
    %shift_right_logical3A_119 = vector.broadcast %shift_right_logical3A_118 : i32 to vector<16xi32>
    %shift_right_logical3A_120 = arith.shrui %get3A_114, %shift_right_logical3A_119 : vector<16xi32>
    %and3A_121 = arith.constant 16383 : i32
    %and3A_122 = vector.broadcast %and3A_121 : i32 to vector<16xi32>
    %and3A_123 = arith.andi %shift_right_logical3A_120, %and3A_122 : vector<16xi32>
    %shift_right_logical3A_124 = arith.constant 28 : i32
    %shift_right_logical3A_125 = vector.broadcast %shift_right_logical3A_124 : i32 to vector<16xi32>
    %shift_right_logical3A_126 = arith.shrui %get3A_114, %shift_right_logical3A_125 : vector<16xi32>
    %mul3A_127 = arith.constant 2 : i32
    %mul3A_128 = vector.broadcast %mul3A_127 : i32 to vector<16xi32>
    %mul3A_129 = arith.muli %shift_right_logical3A_126, %mul3A_128 : vector<16xi32>
    %add3A_130 = vector.broadcast %arg0 : i32 to vector<16xi32>
    %add3A_131 = arith.addi %mul3A_129, %add3A_130 : vector<16xi32>
    %mul3A_132 = arith.constant 10000 : i32
    %mul3A_133 = vector.broadcast %mul3A_132 : i32 to vector<16xi32>
    %mul3A_134 = arith.muli %add3A_131, %mul3A_133 : vector<16xi32>
    %add3A_135 = arith.addi %mul3A_134, %and3A_117 : vector<16xi32>
    %swap3A_136 = arith.constant 48 : index
    %swap3A_137 = tpu.vector_load %arg10[%swap3A_136] {strides = array<i32>} : memref<80xi32, #tpu.memory_space<vmem>>, vector<16xi32>,
    %swap3A_138 = vector.shape_cast %swap3A_137 : vector<16xi32> to vector<16xi32>
    %swap3A_139 = vector.shape_cast %add3A_135 : vector<16xi32> to vector<16xi32>
    tpu.vector_store %arg10[%swap3A_136], %swap3A_139 {strides = array<i32>} : memref<80xi32, #tpu.memory_space<vmem>>, vector<16xi32>,
    %swap3A_140 = arith.constant 48 : index
    %swap3A_141 = tpu.vector_load %arg14[%swap3A_140] {strides = array<i32>} : memref<80xi32, #tpu.memory_space<vmem>>, vector<16xi32>,
    %swap3A_142 = vector.shape_cast %swap3A_141 : vector<16xi32> to vector<16xi32>
    %swap3A_143 = vector.shape_cast %and3A_123 : vector<16xi32> to vector<16xi32>
    tpu.vector_store %arg14[%swap3A_140], %swap3A_143 {strides = array<i32>} : memref<80xi32, #tpu.memory_space<vmem>>, vector<16xi32>,
    %get3A_144 = arith.constant 64 : index
    %get3A_145 = tpu.vector_load %arg6[%get3A_144] {strides = array<i32>} : memref<80xi32, #tpu.memory_space<vmem>>, vector<16xi32>,
    %get3A_146 = vector.shape_cast %get3A_145 : vector<16xi32> to vector<16xi32>
    %and3A_147 = arith.constant 16383 : i32
    %and3A_148 = vector.broadcast %and3A_147 : i32 to vector<16xi32>
    %and3A_149 = arith.andi %get3A_146, %and3A_148 : vector<16xi32>
    %shift_right_logical3A_150 = arith.constant 14 : i32
    %shift_right_logical3A_151 = vector.broadcast %shift_right_logical3A_150 : i32 to vector<16xi32>
    %shift_right_logical3A_152 = arith.shrui %get3A_146, %shift_right_logical3A_151 : vector<16xi32>
    %and3A_153 = arith.constant 16383 : i32
    %and3A_154 = vector.broadcast %and3A_153 : i32 to vector<16xi32>
    %and3A_155 = arith.andi %shift_right_logical3A_152, %and3A_154 : vector<16xi32>
    %shift_right_logical3A_156 = arith.constant 28 : i32
    %shift_right_logical3A_157 = vector.broadcast %shift_right_logical3A_156 : i32 to vector<16xi32>
    %shift_right_logical3A_158 = arith.shrui %get3A_146, %shift_right_logical3A_157 : vector<16xi32>
    %mul3A_159 = arith.constant 2 : i32
    %mul3A_160 = vector.broadcast %mul3A_159 : i32 to vector<16xi32>
    %mul3A_161 = arith.muli %shift_right_logical3A_158, %mul3A_160 : vector<16xi32>
    %add3A_162 = vector.broadcast %arg0 : i32 to vector<16xi32>
    %add3A_163 = arith.addi %mul3A_161, %add3A_162 : vector<16xi32>
    %mul3A_164 = arith.constant 10000 : i32
    %mul3A_165 = vector.broadcast %mul3A_164 : i32 to vector<16xi32>
    %mul3A_166 = arith.muli %add3A_163, %mul3A_165 : vector<16xi32>
    %add3A_167 = arith.addi %mul3A_166, %and3A_149 : vector<16xi32>
    %swap3A_168 = arith.constant 64 : index
    %swap3A_169 = tpu.vector_load %arg10[%swap3A_168] {strides = array<i32>} : memref<80xi32, #tpu.memory_space<vmem>>, vector<16xi32>,
    %swap3A_170 = vector.shape_cast %swap3A_169 : vector<16xi32> to vector<16xi32>
    %swap3A_171 = vector.shape_cast %add3A_167 : vector<16xi32> to vector<16xi32>
    tpu.vector_store %arg10[%swap3A_168], %swap3A_171 {strides = array<i32>} : memref<80xi32, #tpu.memory_space<vmem>>, vector<16xi32>,
    %swap3A_172 = arith.constant 64 : index
    %swap3A_173 = tpu.vector_load %arg14[%swap3A_172] {strides = array<i32>} : memref<80xi32, #tpu.memory_space<vmem>>, vector<16xi32>,
    %swap3A_174 = vector.shape_cast %swap3A_173 : vector<16xi32> to vector<16xi32>
    %swap3A_175 = vector.shape_cast %and3A_155 : vector<16xi32> to vector<16xi32>
    tpu.vector_store %arg14[%swap3A_172], %swap3A_175 {strides = array<i32>} : memref<80xi32, #tpu.memory_space<vmem>>, vector<16xi32>,
    %dma_start3A_176 = arith.constant 0 : i32
    %dma_start3A_177 = arith.constant 0 : i32
    %dma_start3A_178 = tpu.memref_slice %arg2[%dma_start3A_176, %dma_start3A_177] : memref<320000x128xf32, #tpu.memory_space<hbm>> -> memref<320000x128xf32, #tpu.memory_space<hbm>>
    tpu.enqueue_indirect_dma source(%dma_start3A_178 : memref<320000x128xf32, #tpu.memory_space<hbm>>) target(%arg18 : memref<80x128xf32, #tpu.memory_space<vmem>>) offsets(%arg10 : memref<80xi32, #tpu.memory_space<vmem>>) semaphore(%arg27 : memref<!tpu.dma_semaphore, #tpu.memory_space<semaphore_mem>>)
    %add3A_179 = arith.constant 80 : i32
    %add3A_180 = arith.addi %multiple_of3A, %add3A_179 : i32
    %dma_wait3A_181 = tpu.memref_slice %arg3[%add3A_180] : memref<160000xi32, #tpu.memory_space<hbm>> -> memref<80xi32, #tpu.memory_space<hbm>>
    %dma_wait3A_182 = tpu.memref_slice %arg3[%add3A_180] : memref<160000xi32, #tpu.memory_space<hbm>> -> memref<80xi32, #tpu.memory_space<hbm>>
    tpu.wait_dma2 semaphore(%arg24 : memref<!tpu.dma_semaphore, #tpu.memory_space<semaphore_mem>>) src(%dma_wait3A_182 : memref<80xi32, #tpu.memory_space<hbm>>) dst(%arg7 : memref<80xi32, #tpu.memory_space<vmem>>)
    %get3A_183 = arith.constant 0 : index
    %get3A_184 = tpu.vector_load %arg7[%get3A_183] {strides = array<i32>} : memref<80xi32, #tpu.memory_space<vmem>>, vector<16xi32>,
    %get3A_185 = vector.shape_cast %get3A_184 : vector<16xi32> to vector<16xi32>
    %and3A_186 = arith.constant 16383 : i32
    %and3A_187 = vector.broadcast %and3A_186 : i32 to vector<16xi32>
    %and3A_188 = arith.andi %get3A_185, %and3A_187 : vector<16xi32>
    %shift_right_logical3A_189 = arith.constant 14 : i32
    %shift_right_logical3A_190 = vector.broadcast %shift_right_logical3A_189 : i32 to vector<16xi32>
    %shift_right_logical3A_191 = arith.shrui %get3A_185, %shift_right_logical3A_190 : vector<16xi32>
    %and3A_192 = arith.constant 16383 : i32
    %and3A_193 = vector.broadcast %and3A_192 : i32 to vector<16xi32>
    %and3A_194 = arith.andi %shift_right_logical3A_191, %and3A_193 : vector<16xi32>
    %shift_right_logical3A_195 = arith.constant 28 : i32
    %shift_right_logical3A_196 = vector.broadcast %shift_right_logical3A_195 : i32 to vector<16xi32>
    %shift_right_logical3A_197 = arith.shrui %get3A_185, %shift_right_logical3A_196 : vector<16xi32>
    %mul3A_198 = arith.constant 2 : i32
    %mul3A_199 = vector.broadcast %mul3A_198 : i32 to vector<16xi32>
    %mul3A_200 = arith.muli %shift_right_logical3A_197, %mul3A_199 : vector<16xi32>
    %add3A_201 = vector.broadcast %arg0 : i32 to vector<16xi32>
    %add3A_202 = arith.addi %mul3A_200, %add3A_201 : vector<16xi32>
    %mul3A_203 = arith.constant 10000 : i32
    %mul3A_204 = vector.broadcast %mul3A_203 : i32 to vector<16xi32>
    %mul3A_205 = arith.muli %add3A_202, %mul3A_204 : vector<16xi32>
    %add3A_206 = arith.addi %mul3A_205, %and3A_188 : vector<16xi32>
    %swap3A_207 = arith.constant 0 : index
    %swap3A_208 = tpu.vector_load %arg11[%swap3A_207] {strides = array<i32>} : memref<80xi32, #tpu.memory_space<vmem>>, vector<16xi32>,
    %swap3A_209 = vector.shape_cast %swap3A_208 : vector<16xi32> to vector<16xi32>
    %swap3A_210 = vector.shape_cast %add3A_206 : vector<16xi32> to vector<16xi32>
    tpu.vector_store %arg11[%swap3A_207], %swap3A_210 {strides = array<i32>} : memref<80xi32, #tpu.memory_space<vmem>>, vector<16xi32>,
    %swap3A_211 = arith.constant 0 : index
    %swap3A_212 = tpu.vector_load %arg15[%swap3A_211] {strides = array<i32>} : memref<80xi32, #tpu.memory_space<vmem>>, vector<16xi32>,
    %swap3A_213 = vector.shape_cast %swap3A_212 : vector<16xi32> to vector<16xi32>
    %swap3A_214 = vector.shape_cast %and3A_194 : vector<16xi32> to vector<16xi32>
    tpu.vector_store %arg15[%swap3A_211], %swap3A_214 {strides = array<i32>} : memref<80xi32, #tpu.memory_space<vmem>>, vector<16xi32>,
    %get3A_215 = arith.constant 16 : index
    %get3A_216 = tpu.vector_load %arg7[%get3A_215] {strides = array<i32>} : memref<80xi32, #tpu.memory_space<vmem>>, vector<16xi32>,
    %get3A_217 = vector.shape_cast %get3A_216 : vector<16xi32> to vector<16xi32>
    %and3A_218 = arith.constant 16383 : i32
    %and3A_219 = vector.broadcast %and3A_218 : i32 to vector<16xi32>
    %and3A_220 = arith.andi %get3A_217, %and3A_219 : vector<16xi32>
    %shift_right_logical3A_221 = arith.constant 14 : i32
    %shift_right_logical3A_222 = vector.broadcast %shift_right_logical3A_221 : i32 to vector<16xi32>
    %shift_right_logical3A_223 = arith.shrui %get3A_217, %shift_right_logical3A_222 : vector<16xi32>
    %and3A_224 = arith.constant 16383 : i32
    %and3A_225 = vector.broadcast %and3A_224 : i32 to vector<16xi32>
    %and3A_226 = arith.andi %shift_right_logical3A_223, %and3A_225 : vector<16xi32>
    %shift_right_logical3A_227 = arith.constant 28 : i32
    %shift_right_logical3A_228 = vector.broadcast %shift_right_logical3A_227 : i32 to vector<16xi32>
    %shift_right_logical3A_229 = arith.shrui %get3A_217, %shift_right_logical3A_228 : vector<16xi32>
    %mul3A_230 = arith.constant 2 : i32
    %mul3A_231 = vector.broadcast %mul3A_230 : i32 to vector<16xi32>
    %mul3A_232 = arith.muli %shift_right_logical3A_229, %mul3A_231 : vector<16xi32>
    %add3A_233 = vector.broadcast %arg0 : i32 to vector<16xi32>
    %add3A_234 = arith.addi %mul3A_232, %add3A_233 : vector<16xi32>
    %mul3A_235 = arith.constant 10000 : i32
    %mul3A_236 = vector.broadcast %mul3A_235 : i32 to vector<16xi32>
    %mul3A_237 = arith.muli %add3A_234, %mul3A_236 : vector<16xi32>
    %add3A_238 = arith.addi %mul3A_237, %and3A_220 : vector<16xi32>
    %swap3A_239 = arith.constant 16 : index
    %swap3A_240 = tpu.vector_load %arg11[%swap3A_239] {strides = array<i32>} : memref<80xi32, #tpu.memory_space<vmem>>, vector<16xi32>,
    %swap3A_241 = vector.shape_cast %swap3A_240 : vector<16xi32> to vector<16xi32>
    %swap3A_242 = vector.shape_cast %add3A_238 : vector<16xi32> to vector<16xi32>
    tpu.vector_store %arg11[%swap3A_239], %swap3A_242 {strides = array<i32>} : memref<80xi32, #tpu.memory_space<vmem>>, vector<16xi32>,
    %swap3A_243 = arith.constant 16 : index
    %swap3A_244 = tpu.vector_load %arg15[%swap3A_243] {strides = array<i32>} : memref<80xi32, #tpu.memory_space<vmem>>, vector<16xi32>,
    %swap3A_245 = vector.shape_cast %swap3A_244 : vector<16xi32> to vector<16xi32>
    %swap3A_246 = vector.shape_cast %and3A_226 : vector<16xi32> to vector<16xi32>
    tpu.vector_store %arg15[%swap3A_243], %swap3A_246 {strides = array<i32>} : memref<80xi32, #tpu.memory_space<vmem>>, vector<16xi32>,
    %get3A_247 = arith.constant 32 : index
    %get3A_248 = tpu.vector_load %arg7[%get3A_247] {strides = array<i32>} : memref<80xi32, #tpu.memory_space<vmem>>, vector<16xi32>,
    %get3A_249 = vector.shape_cast %get3A_248 : vector<16xi32> to vector<16xi32>
    %and3A_250 = arith.constant 16383 : i32
    %and3A_251 = vector.broadcast %and3A_250 : i32 to vector<16xi32>
    %and3A_252 = arith.andi %get3A_249, %and3A_251 : vector<16xi32>
    %shift_right_logical3A_253 = arith.constant 14 : i32
    %shift_right_logical3A_254 = vector.broadcast %shift_right_logical3A_253 : i32 to vector<16xi32>
    %shift_right_logical3A_255 = arith.shrui %get3A_249, %shift_right_logical3A_254 : vector<16xi32>
    %and3A_256 = arith.constant 16383 : i32
    %and3A_257 = vector.broadcast %and3A_256 : i32 to vector<16xi32>
    %and3A_258 = arith.andi %shift_right_logical3A_255, %and3A_257 : vector<16xi32>
    %shift_right_logical3A_259 = arith.constant 28 : i32
    %shift_right_logical3A_260 = vector.broadcast %shift_right_logical3A_259 : i32 to vector<16xi32>
    %shift_right_logical3A_261 = arith.shrui %get3A_249, %shift_right_logical3A_260 : vector<16xi32>
    %mul3A_262 = arith.constant 2 : i32
    %mul3A_263 = vector.broadcast %mul3A_262 : i32 to vector<16xi32>
    %mul3A_264 = arith.muli %shift_right_logical3A_261, %mul3A_263 : vector<16xi32>
    %add3A_265 = vector.broadcast %arg0 : i32 to vector<16xi32>
    %add3A_266 = arith.addi %mul3A_264, %add3A_265 : vector<16xi32>
    %mul3A_267 = arith.constant 10000 : i32
    %mul3A_268 = vector.broadcast %mul3A_267 : i32 to vector<16xi32>
    %mul3A_269 = arith.muli %add3A_266, %mul3A_268 : vector<16xi32>
    %add3A_270 = arith.addi %mul3A_269, %and3A_252 : vector<16xi32>
    %swap3A_271 = arith.constant 32 : index
    %swap3A_272 = tpu.vector_load %arg11[%swap3A_271] {strides = array<i32>} : memref<80xi32, #tpu.memory_space<vmem>>, vector<16xi32>,
    %swap3A_273 = vector.shape_cast %swap3A_272 : vector<16xi32> to vector<16xi32>
    %swap3A_274 = vector.shape_cast %add3A_270 : vector<16xi32> to vector<16xi32>
    tpu.vector_store %arg11[%swap3A_271], %swap3A_274 {strides = array<i32>} : memref<80xi32, #tpu.memory_space<vmem>>, vector<16xi32>,
    %swap3A_275 = arith.constant 32 : index
    %swap3A_276 = tpu.vector_load %arg15[%swap3A_275] {strides = array<i32>} : memref<80xi32, #tpu.memory_space<vmem>>, vector<16xi32>,
    %swap3A_277 = vector.shape_cast %swap3A_276 : vector<16xi32> to vector<16xi32>
    %swap3A_278 = vector.shape_cast %and3A_258 : vector<16xi32> to vector<16xi32>
    tpu.vector_store %arg15[%swap3A_275], %swap3A_278 {strides = array<i32>} : memref<80xi32, #tpu.memory_space<vmem>>, vector<16xi32>,
    %get3A_279 = arith.constant 48 : index
    %get3A_280 = tpu.vector_load %arg7[%get3A_279] {strides = array<i32>} : memref<80xi32, #tpu.memory_space<vmem>>, vector<16xi32>,
    %get3A_281 = vector.shape_cast %get3A_280 : vector<16xi32> to vector<16xi32>
    %and3A_282 = arith.constant 16383 : i32
    %and3A_283 = vector.broadcast %and3A_282 : i32 to vector<16xi32>
    %and3A_284 = arith.andi %get3A_281, %and3A_283 : vector<16xi32>
    %shift_right_logical3A_285 = arith.constant 14 : i32
    %shift_right_logical3A_286 = vector.broadcast %shift_right_logical3A_285 : i32 to vector<16xi32>
    %shift_right_logical3A_287 = arith.shrui %get3A_281, %shift_right_logical3A_286 : vector<16xi32>
    %and3A_288 = arith.constant 16383 : i32
    %and3A_289 = vector.broadcast %and3A_288 : i32 to vector<16xi32>
    %and3A_290 = arith.andi %shift_right_logical3A_287, %and3A_289 : vector<16xi32>
    %shift_right_logical3A_291 = arith.constant 28 : i32
    %shift_right_logical3A_292 = vector.broadcast %shift_right_logical3A_291 : i32 to vector<16xi32>
    %shift_right_logical3A_293 = arith.shrui %get3A_281, %shift_right_logical3A_292 : vector<16xi32>
    %mul3A_294 = arith.constant 2 : i32
    %mul3A_295 = vector.broadcast %mul3A_294 : i32 to vector<16xi32>
    %mul3A_296 = arith.muli %shift_right_logical3A_293, %mul3A_295 : vector<16xi32>
    %add3A_297 = vector.broadcast %arg0 : i32 to vector<16xi32>
    %add3A_298 = arith.addi %mul3A_296, %add3A_297 : vector<16xi32>
    %mul3A_299 = arith.constant 10000 : i32
    %mul3A_300 = vector.broadcast %mul3A_299 : i32 to vector<16xi32>
    %mul3A_301 = arith.muli %add3A_298, %mul3A_300 : vector<16xi32>
    %add3A_302 = arith.addi %mul3A_301, %and3A_284 : vector<16xi32>
    %swap3A_303 = arith.constant 48 : index
    %swap3A_304 = tpu.vector_load %arg11[%swap3A_303] {strides = array<i32>} : memref<80xi32, #tpu.memory_space<vmem>>, vector<16xi32>,
    %swap3A_305 = vector.shape_cast %swap3A_304 : vector<16xi32> to vector<16xi32>
    %swap3A_306 = vector.shape_cast %add3A_302 : vector<16xi32> to vector<16xi32>
    tpu.vector_store %arg11[%swap3A_303], %swap3A_306 {strides = array<i32>} : memref<80xi32, #tpu.memory_space<vmem>>, vector<16xi32>,
    %swap3A_307 = arith.constant 48 : index
    %swap3A_308 = tpu.vector_load %arg15[%swap3A_307] {strides = array<i32>} : memref<80xi32, #tpu.memory_space<vmem>>, vector<16xi32>,
    %swap3A_309 = vector.shape_cast %swap3A_308 : vector<16xi32> to vector<16xi32>
    %swap3A_310 = vector.shape_cast %and3A_290 : vector<16xi32> to vector<16xi32>
    tpu.vector_store %arg15[%swap3A_307], %swap3A_310 {strides = array<i32>} : memref<80xi32, #tpu.memory_space<vmem>>, vector<16xi32>,
    %get3A_311 = arith.constant 64 : index
    %get3A_312 = tpu.vector_load %arg7[%get3A_311] {strides = array<i32>} : memref<80xi32, #tpu.memory_space<vmem>>, vector<16xi32>,
    %get3A_313 = vector.shape_cast %get3A_312 : vector<16xi32> to vector<16xi32>
    %and3A_314 = arith.constant 16383 : i32
    %and3A_315 = vector.broadcast %and3A_314 : i32 to vector<16xi32>
    %and3A_316 = arith.andi %get3A_313, %and3A_315 : vector<16xi32>
    %shift_right_logical3A_317 = arith.constant 14 : i32
    %shift_right_logical3A_318 = vector.broadcast %shift_right_logical3A_317 : i32 to vector<16xi32>
    %shift_right_logical3A_319 = arith.shrui %get3A_313, %shift_right_logical3A_318 : vector<16xi32>
    %and3A_320 = arith.constant 16383 : i32
    %and3A_321 = vector.broadcast %and3A_320 : i32 to vector<16xi32>
    %and3A_322 = arith.andi %shift_right_logical3A_319, %and3A_321 : vector<16xi32>
    %shift_right_logical3A_323 = arith.constant 28 : i32
    %shift_right_logical3A_324 = vector.broadcast %shift_right_logical3A_323 : i32 to vector<16xi32>
    %shift_right_logical3A_325 = arith.shrui %get3A_313, %shift_right_logical3A_324 : vector<16xi32>
    %mul3A_326 = arith.constant 2 : i32
    %mul3A_327 = vector.broadcast %mul3A_326 : i32 to vector<16xi32>
    %mul3A_328 = arith.muli %shift_right_logical3A_325, %mul3A_327 : vector<16xi32>
    %add3A_329 = vector.broadcast %arg0 : i32 to vector<16xi32>
    %add3A_330 = arith.addi %mul3A_328, %add3A_329 : vector<16xi32>
    %mul3A_331 = arith.constant 10000 : i32
    %mul3A_332 = vector.broadcast %mul3A_331 : i32 to vector<16xi32>
    %mul3A_333 = arith.muli %add3A_330, %mul3A_332 : vector<16xi32>
    %add3A_334 = arith.addi %mul3A_333, %and3A_316 : vector<16xi32>
    %swap3A_335 = arith.constant 64 : index
    %swap3A_336 = tpu.vector_load %arg11[%swap3A_335] {strides = array<i32>} : memref<80xi32, #tpu.memory_space<vmem>>, vector<16xi32>,
    %swap3A_337 = vector.shape_cast %swap3A_336 : vector<16xi32> to vector<16xi32>
    %swap3A_338 = vector.shape_cast %add3A_334 : vector<16xi32> to vector<16xi32>
    tpu.vector_store %arg11[%swap3A_335], %swap3A_338 {strides = array<i32>} : memref<80xi32, #tpu.memory_space<vmem>>, vector<16xi32>,
    %swap3A_339 = arith.constant 64 : index
    %swap3A_340 = tpu.vector_load %arg15[%swap3A_339] {strides = array<i32>} : memref<80xi32, #tpu.memory_space<vmem>>, vector<16xi32>,
    %swap3A_341 = vector.shape_cast %swap3A_340 : vector<16xi32> to vector<16xi32>
    %swap3A_342 = vector.shape_cast %and3A_322 : vector<16xi32> to vector<16xi32>
    tpu.vector_store %arg15[%swap3A_339], %swap3A_342 {strides = array<i32>} : memref<80xi32, #tpu.memory_space<vmem>>, vector<16xi32>,
    %dma_start3A_343 = arith.constant 0 : i32
    %dma_start3A_344 = arith.constant 0 : i32
    %dma_start3A_345 = tpu.memref_slice %arg2[%dma_start3A_343, %dma_start3A_344] : memref<320000x128xf32, #tpu.memory_space<hbm>> -> memref<320000x128xf32, #tpu.memory_space<hbm>>
    tpu.enqueue_indirect_dma source(%dma_start3A_345 : memref<320000x128xf32, #tpu.memory_space<hbm>>) target(%arg19 : memref<80x128xf32, #tpu.memory_space<vmem>>) offsets(%arg11 : memref<80xi32, #tpu.memory_space<vmem>>) semaphore(%arg28 : memref<!tpu.dma_semaphore, #tpu.memory_space<semaphore_mem>>)
    %scan3A = arith.constant 0 : i32
    %scan3A_346 = arith.constant 31 : i32
    %scan3A_347 = arith.addi %scan3A, %scan3A_346 : i32
    %scan3A_348 = arith.constant 1 : i32
    scf.for %scan3A_371 = %scan3A to %scan3A_347 step %scan3A_348  : i32 {
      %mul3A_372 = arith.constant 4 : i32
      %mul3A_373 = arith.muli %scan3A_371, %mul3A_372 : i32
      %add3A_374 = arith.constant 0 : i32
      %add3A_375 = arith.addi %mul3A_373, %add3A_374 : i32
      %dma_wait3A_376 = arith.constant 0 : i32
      %dma_wait3A_377 = arith.constant 0 : i32
      %dma_wait3A_378 = tpu.memref_slice %arg2[%dma_wait3A_376, %dma_wait3A_377] : memref<320000x128xf32, #tpu.memory_space<hbm>> -> memref<320000x128xf32, #tpu.memory_space<hbm>>
      tpu.wait_indirect_dma semaphore(%arg27 : memref<!tpu.dma_semaphore, #tpu.memory_space<semaphore_mem>>) src(%dma_wait3A_378 : memref<320000x128xf32, #tpu.memory_space<hbm>>) dst(%arg18 : memref<80x128xf32, #tpu.memory_space<vmem>>)
      %dma_start3A_379 = arith.constant 0 : i32
      %dma_start3A_380 = arith.constant 0 : i32
      %dma_start3A_381 = tpu.memref_slice %arg22[%dma_start3A_379, %dma_start3A_380] : memref<10000x128xf32, #tpu.memory_space<vmem_shared>> -> memref<10000x128xf32, #tpu.memory_space<vmem_shared>>
      tpu.enqueue_indirect_dma source(%arg18 : memref<80x128xf32, #tpu.memory_space<vmem>>) target(%dma_start3A_381 : memref<10000x128xf32, #tpu.memory_space<vmem_shared>>) offsets(%arg14 : memref<80xi32, #tpu.memory_space<vmem>>) semaphore(%arg31 : memref<!tpu.dma_semaphore, #tpu.memory_space<semaphore_mem>>) {add = true}
      %ge3A = arith.constant 2 : i32
      %ge3A_382 = arith.cmpi sge, %add3A_375, %ge3A : i32
      %convert_element_type3A_383 = arith.extui %ge3A_382 : i1 to i32
      %cond3A_384 = arith.constant 0 : i32
      %cond3A_385 = arith.cmpi ne, %convert_element_type3A_383, %cond3A_384 : i32
      scf.if %cond3A_385 {
        %sub3A = arith.constant 2 : i32
        %sub3A_487 = arith.subi %add3A_375, %sub3A : i32
        %dma_wait3A_488 = arith.constant 0 : i32
        %dma_wait3A_489 = arith.constant 0 : i32
        %dma_wait3A_490 = tpu.memref_slice %arg22[%dma_wait3A_488, %dma_wait3A_489] : memref<10000x128xf32, #tpu.memory_space<vmem_shared>> -> memref<10000x128xf32, #tpu.memory_space<vmem_shared>>
        tpu.wait_indirect_dma semaphore(%arg33 : memref<!tpu.dma_semaphore, #tpu.memory_space<semaphore_mem>>) src(%arg20 : memref<80x128xf32, #tpu.memory_space<vmem>>) dst(%dma_wait3A_490 : memref<10000x128xf32, #tpu.memory_space<vmem_shared>>)
      } else {
      }
      %add3A_386 = arith.constant 2 : i32
      %add3A_387 = arith.addi %add3A_375, %add3A_386 : i32
      %lt3A_388 = arith.constant 125 : i32
      %lt3A_389 = arith.cmpi slt, %add3A_387, %lt3A_388 : i32
      %convert_element_type3A_390 = arith.extui %lt3A_389 : i1 to i32
      %cond3A_391 = arith.constant 0 : i32
      %cond3A_392 = arith.cmpi ne, %convert_element_type3A_390, %cond3A_391 : i32
      scf.if %cond3A_392 {
        %add3A_487 = arith.constant 2 : i32
        %add3A_488 = arith.addi %add3A_375, %add3A_487 : i32
        %mul3A_489 = arith.constant 80 : i32
        %mul3A_490 = arith.muli %add3A_488, %mul3A_489 : i32
        %add3A_491 = arith.addi %multiple_of3A, %mul3A_490 : i32
        %dma_wait3A_492 = tpu.memref_slice %arg3[%add3A_491] : memref<160000xi32, #tpu.memory_space<hbm>> -> memref<80xi32, #tpu.memory_space<hbm>>
        %dma_wait3A_493 = tpu.memref_slice %arg3[%add3A_491] : memref<160000xi32, #tpu.memory_space<hbm>> -> memref<80xi32, #tpu.memory_space<hbm>>
        tpu.wait_dma2 semaphore(%arg25 : memref<!tpu.dma_semaphore, #tpu.memory_space<semaphore_mem>>) src(%dma_wait3A_493 : memref<80xi32, #tpu.memory_space<hbm>>) dst(%arg8 : memref<80xi32, #tpu.memory_space<vmem>>)
        %get3A_494 = arith.constant 0 : index
        %get3A_495 = tpu.vector_load %arg8[%get3A_494] {strides = array<i32>} : memref<80xi32, #tpu.memory_space<vmem>>, vector<16xi32>,
        %get3A_496 = vector.shape_cast %get3A_495 : vector<16xi32> to vector<16xi32>
        %and3A_497 = arith.constant 16383 : i32
        %and3A_498 = vector.broadcast %and3A_497 : i32 to vector<16xi32>
        %and3A_499 = arith.andi %get3A_496, %and3A_498 : vector<16xi32>
        %shift_right_logical3A_500 = arith.constant 14 : i32
        %shift_right_logical3A_501 = vector.broadcast %shift_right_logical3A_500 : i32 to vector<16xi32>
        %shift_right_logical3A_502 = arith.shrui %get3A_496, %shift_right_logical3A_501 : vector<16xi32>
        %and3A_503 = arith.constant 16383 : i32
        %and3A_504 = vector.broadcast %and3A_503 : i32 to vector<16xi32>
        %and3A_505 = arith.andi %shift_right_logical3A_502, %and3A_504 : vector<16xi32>
        %shift_right_logical3A_506 = arith.constant 28 : i32
        %shift_right_logical3A_507 = vector.broadcast %shift_right_logical3A_506 : i32 to vector<16xi32>
        %shift_right_logical3A_508 = arith.shrui %get3A_496, %shift_right_logical3A_507 : vector<16xi32>
        %mul3A_509 = arith.constant 2 : i32
        %mul3A_510 = vector.broadcast %mul3A_509 : i32 to vector<16xi32>
        %mul3A_511 = arith.muli %shift_right_logical3A_508, %mul3A_510 : vector<16xi32>
        %add3A_512 = vector.broadcast %arg0 : i32 to vector<16xi32>
        %add3A_513 = arith.addi %mul3A_511, %add3A_512 : vector<16xi32>
        %mul3A_514 = arith.constant 10000 : i32
        %mul3A_515 = vector.broadcast %mul3A_514 : i32 to vector<16xi32>
        %mul3A_516 = arith.muli %add3A_513, %mul3A_515 : vector<16xi32>
        %add3A_517 = arith.addi %mul3A_516, %and3A_499 : vector<16xi32>
        %swap3A_518 = arith.constant 0 : index
        %swap3A_519 = tpu.vector_load %arg12[%swap3A_518] {strides = array<i32>} : memref<80xi32, #tpu.memory_space<vmem>>, vector<16xi32>,
        %swap3A_520 = vector.shape_cast %swap3A_519 : vector<16xi32> to vector<16xi32>
        %swap3A_521 = vector.shape_cast %add3A_517 : vector<16xi32> to vector<16xi32>
        tpu.vector_store %arg12[%swap3A_518], %swap3A_521 {strides = array<i32>} : memref<80xi32, #tpu.memory_space<vmem>>, vector<16xi32>,
        %swap3A_522 = arith.constant 0 : index
        %swap3A_523 = tpu.vector_load %arg16[%swap3A_522] {strides = array<i32>} : memref<80xi32, #tpu.memory_space<vmem>>, vector<16xi32>,
        %swap3A_524 = vector.shape_cast %swap3A_523 : vector<16xi32> to vector<16xi32>
        %swap3A_525 = vector.shape_cast %and3A_505 : vector<16xi32> to vector<16xi32>
        tpu.vector_store %arg16[%swap3A_522], %swap3A_525 {strides = array<i32>} : memref<80xi32, #tpu.memory_space<vmem>>, vector<16xi32>,
        %get3A_526 = arith.constant 16 : index
        %get3A_527 = tpu.vector_load %arg8[%get3A_526] {strides = array<i32>} : memref<80xi32, #tpu.memory_space<vmem>>, vector<16xi32>,
        %get3A_528 = vector.shape_cast %get3A_527 : vector<16xi32> to vector<16xi32>
        %and3A_529 = arith.constant 16383 : i32
        %and3A_530 = vector.broadcast %and3A_529 : i32 to vector<16xi32>
        %and3A_531 = arith.andi %get3A_528, %and3A_530 : vector<16xi32>
        %shift_right_logical3A_532 = arith.constant 14 : i32
        %shift_right_logical3A_533 = vector.broadcast %shift_right_logical3A_532 : i32 to vector<16xi32>
        %shift_right_logical3A_534 = arith.shrui %get3A_528, %shift_right_logical3A_533 : vector<16xi32>
        %and3A_535 = arith.constant 16383 : i32
        %and3A_536 = vector.broadcast %and3A_535 : i32 to vector<16xi32>
        %and3A_537 = arith.andi %shift_right_logical3A_534, %and3A_536 : vector<16xi32>
        %shift_right_logical3A_538 = arith.constant 28 : i32
        %shift_right_logical3A_539 = vector.broadcast %shift_right_logical3A_538 : i32 to vector<16xi32>
        %shift_right_logical3A_540 = arith.shrui %get3A_528, %shift_right_logical3A_539 : vector<16xi32>
        %mul3A_541 = arith.constant 2 : i32
        %mul3A_542 = vector.broadcast %mul3A_541 : i32 to vector<16xi32>
        %mul3A_543 = arith.muli %shift_right_logical3A_540, %mul3A_542 : vector<16xi32>
        %add3A_544 = vector.broadcast %arg0 : i32 to vector<16xi32>
        %add3A_545 = arith.addi %mul3A_543, %add3A_544 : vector<16xi32>
        %mul3A_546 = arith.constant 10000 : i32
        %mul3A_547 = vector.broadcast %mul3A_546 : i32 to vector<16xi32>
        %mul3A_548 = arith.muli %add3A_545, %mul3A_547 : vector<16xi32>
        %add3A_549 = arith.addi %mul3A_548, %and3A_531 : vector<16xi32>
        %swap3A_550 = arith.constant 16 : index
        %swap3A_551 = tpu.vector_load %arg12[%swap3A_550] {strides = array<i32>} : memref<80xi32, #tpu.memory_space<vmem>>, vector<16xi32>,
        %swap3A_552 = vector.shape_cast %swap3A_551 : vector<16xi32> to vector<16xi32>
        %swap3A_553 = vector.shape_cast %add3A_549 : vector<16xi32> to vector<16xi32>
        tpu.vector_store %arg12[%swap3A_550], %swap3A_553 {strides = array<i32>} : memref<80xi32, #tpu.memory_space<vmem>>, vector<16xi32>,
        %swap3A_554 = arith.constant 16 : index
        %swap3A_555 = tpu.vector_load %arg16[%swap3A_554] {strides = array<i32>} : memref<80xi32, #tpu.memory_space<vmem>>, vector<16xi32>,
        %swap3A_556 = vector.shape_cast %swap3A_555 : vector<16xi32> to vector<16xi32>
        %swap3A_557 = vector.shape_cast %and3A_537 : vector<16xi32> to vector<16xi32>
        tpu.vector_store %arg16[%swap3A_554], %swap3A_557 {strides = array<i32>} : memref<80xi32, #tpu.memory_space<vmem>>, vector<16xi32>,
        %get3A_558 = arith.constant 32 : index
        %get3A_559 = tpu.vector_load %arg8[%get3A_558] {strides = array<i32>} : memref<80xi32, #tpu.memory_space<vmem>>, vector<16xi32>,
        %get3A_560 = vector.shape_cast %get3A_559 : vector<16xi32> to vector<16xi32>
        %and3A_561 = arith.constant 16383 : i32
        %and3A_562 = vector.broadcast %and3A_561 : i32 to vector<16xi32>
        %and3A_563 = arith.andi %get3A_560, %and3A_562 : vector<16xi32>
        %shift_right_logical3A_564 = arith.constant 14 : i32
        %shift_right_logical3A_565 = vector.broadcast %shift_right_logical3A_564 : i32 to vector<16xi32>
        %shift_right_logical3A_566 = arith.shrui %get3A_560, %shift_right_logical3A_565 : vector<16xi32>
        %and3A_567 = arith.constant 16383 : i32
        %and3A_568 = vector.broadcast %and3A_567 : i32 to vector<16xi32>
        %and3A_569 = arith.andi %shift_right_logical3A_566, %and3A_568 : vector<16xi32>
        %shift_right_logical3A_570 = arith.constant 28 : i32
        %shift_right_logical3A_571 = vector.broadcast %shift_right_logical3A_570 : i32 to vector<16xi32>
        %shift_right_logical3A_572 = arith.shrui %get3A_560, %shift_right_logical3A_571 : vector<16xi32>
        %mul3A_573 = arith.constant 2 : i32
        %mul3A_574 = vector.broadcast %mul3A_573 : i32 to vector<16xi32>
        %mul3A_575 = arith.muli %shift_right_logical3A_572, %mul3A_574 : vector<16xi32>
        %add3A_576 = vector.broadcast %arg0 : i32 to vector<16xi32>
        %add3A_577 = arith.addi %mul3A_575, %add3A_576 : vector<16xi32>
        %mul3A_578 = arith.constant 10000 : i32
        %mul3A_579 = vector.broadcast %mul3A_578 : i32 to vector<16xi32>
        %mul3A_580 = arith.muli %add3A_577, %mul3A_579 : vector<16xi32>
        %add3A_581 = arith.addi %mul3A_580, %and3A_563 : vector<16xi32>
        %swap3A_582 = arith.constant 32 : index
        %swap3A_583 = tpu.vector_load %arg12[%swap3A_582] {strides = array<i32>} : memref<80xi32, #tpu.memory_space<vmem>>, vector<16xi32>,
        %swap3A_584 = vector.shape_cast %swap3A_583 : vector<16xi32> to vector<16xi32>
        %swap3A_585 = vector.shape_cast %add3A_581 : vector<16xi32> to vector<16xi32>
        tpu.vector_store %arg12[%swap3A_582], %swap3A_585 {strides = array<i32>} : memref<80xi32, #tpu.memory_space<vmem>>, vector<16xi32>,
        %swap3A_586 = arith.constant 32 : index
        %swap3A_587 = tpu.vector_load %arg16[%swap3A_586] {strides = array<i32>} : memref<80xi32, #tpu.memory_space<vmem>>, vector<16xi32>,
        %swap3A_588 = vector.shape_cast %swap3A_587 : vector<16xi32> to vector<16xi32>
        %swap3A_589 = vector.shape_cast %and3A_569 : vector<16xi32> to vector<16xi32>
        tpu.vector_store %arg16[%swap3A_586], %swap3A_589 {strides = array<i32>} : memref<80xi32, #tpu.memory_space<vmem>>, vector<16xi32>,
        %get3A_590 = arith.constant 48 : index
        %get3A_591 = tpu.vector_load %arg8[%get3A_590] {strides = array<i32>} : memref<80xi32, #tpu.memory_space<vmem>>, vector<16xi32>,
        %get3A_592 = vector.shape_cast %get3A_591 : vector<16xi32> to vector<16xi32>
        %and3A_593 = arith.constant 16383 : i32
        %and3A_594 = vector.broadcast %and3A_593 : i32 to vector<16xi32>
        %and3A_595 = arith.andi %get3A_592, %and3A_594 : vector<16xi32>
        %shift_right_logical3A_596 = arith.constant 14 : i32
        %shift_right_logical3A_597 = vector.broadcast %shift_right_logical3A_596 : i32 to vector<16xi32>
        %shift_right_logical3A_598 = arith.shrui %get3A_592, %shift_right_logical3A_597 : vector<16xi32>
        %and3A_599 = arith.constant 16383 : i32
        %and3A_600 = vector.broadcast %and3A_599 : i32 to vector<16xi32>
        %and3A_601 = arith.andi %shift_right_logical3A_598, %and3A_600 : vector<16xi32>
        %shift_right_logical3A_602 = arith.constant 28 : i32
        %shift_right_logical3A_603 = vector.broadcast %shift_right_logical3A_602 : i32 to vector<16xi32>
        %shift_right_logical3A_604 = arith.shrui %get3A_592, %shift_right_logical3A_603 : vector<16xi32>
        %mul3A_605 = arith.constant 2 : i32
        %mul3A_606 = vector.broadcast %mul3A_605 : i32 to vector<16xi32>
        %mul3A_607 = arith.muli %shift_right_logical3A_604, %mul3A_606 : vector<16xi32>
        %add3A_608 = vector.broadcast %arg0 : i32 to vector<16xi32>
        %add3A_609 = arith.addi %mul3A_607, %add3A_608 : vector<16xi32>
        %mul3A_610 = arith.constant 10000 : i32
        %mul3A_611 = vector.broadcast %mul3A_610 : i32 to vector<16xi32>
        %mul3A_612 = arith.muli %add3A_609, %mul3A_611 : vector<16xi32>
        %add3A_613 = arith.addi %mul3A_612, %and3A_595 : vector<16xi32>
        %swap3A_614 = arith.constant 48 : index
        %swap3A_615 = tpu.vector_load %arg12[%swap3A_614] {strides = array<i32>} : memref<80xi32, #tpu.memory_space<vmem>>, vector<16xi32>,
        %swap3A_616 = vector.shape_cast %swap3A_615 : vector<16xi32> to vector<16xi32>
        %swap3A_617 = vector.shape_cast %add3A_613 : vector<16xi32> to vector<16xi32>
        tpu.vector_store %arg12[%swap3A_614], %swap3A_617 {strides = array<i32>} : memref<80xi32, #tpu.memory_space<vmem>>, vector<16xi32>,
        %swap3A_618 = arith.constant 48 : index
        %swap3A_619 = tpu.vector_load %arg16[%swap3A_618] {strides = array<i32>} : memref<80xi32, #tpu.memory_space<vmem>>, vector<16xi32>,
        %swap3A_620 = vector.shape_cast %swap3A_619 : vector<16xi32> to vector<16xi32>
        %swap3A_621 = vector.shape_cast %and3A_601 : vector<16xi32> to vector<16xi32>
        tpu.vector_store %arg16[%swap3A_618], %swap3A_621 {strides = array<i32>} : memref<80xi32, #tpu.memory_space<vmem>>, vector<16xi32>,
        %get3A_622 = arith.constant 64 : index
        %get3A_623 = tpu.vector_load %arg8[%get3A_622] {strides = array<i32>} : memref<80xi32, #tpu.memory_space<vmem>>, vector<16xi32>,
        %get3A_624 = vector.shape_cast %get3A_623 : vector<16xi32> to vector<16xi32>
        %and3A_625 = arith.constant 16383 : i32
        %and3A_626 = vector.broadcast %and3A_625 : i32 to vector<16xi32>
        %and3A_627 = arith.andi %get3A_624, %and3A_626 : vector<16xi32>
        %shift_right_logical3A_628 = arith.constant 14 : i32
        %shift_right_logical3A_629 = vector.broadcast %shift_right_logical3A_628 : i32 to vector<16xi32>
        %shift_right_logical3A_630 = arith.shrui %get3A_624, %shift_right_logical3A_629 : vector<16xi32>
        %and3A_631 = arith.constant 16383 : i32
        %and3A_632 = vector.broadcast %and3A_631 : i32 to vector<16xi32>
        %and3A_633 = arith.andi %shift_right_logical3A_630, %and3A_632 : vector<16xi32>
        %shift_right_logical3A_634 = arith.constant 28 : i32
        %shift_right_logical3A_635 = vector.broadcast %shift_right_logical3A_634 : i32 to vector<16xi32>
        %shift_right_logical3A_636 = arith.shrui %get3A_624, %shift_right_logical3A_635 : vector<16xi32>
        %mul3A_637 = arith.constant 2 : i32
        %mul3A_638 = vector.broadcast %mul3A_637 : i32 to vector<16xi32>
        %mul3A_639 = arith.muli %shift_right_logical3A_636, %mul3A_638 : vector<16xi32>
        %add3A_640 = vector.broadcast %arg0 : i32 to vector<16xi32>
        %add3A_641 = arith.addi %mul3A_639, %add3A_640 : vector<16xi32>
        %mul3A_642 = arith.constant 10000 : i32
        %mul3A_643 = vector.broadcast %mul3A_642 : i32 to vector<16xi32>
        %mul3A_644 = arith.muli %add3A_641, %mul3A_643 : vector<16xi32>
        %add3A_645 = arith.addi %mul3A_644, %and3A_627 : vector<16xi32>
        %swap3A_646 = arith.constant 64 : index
        %swap3A_647 = tpu.vector_load %arg12[%swap3A_646] {strides = array<i32>} : memref<80xi32, #tpu.memory_space<vmem>>, vector<16xi32>,
        %swap3A_648 = vector.shape_cast %swap3A_647 : vector<16xi32> to vector<16xi32>
        %swap3A_649 = vector.shape_cast %add3A_645 : vector<16xi32> to vector<16xi32>
        tpu.vector_store %arg12[%swap3A_646], %swap3A_649 {strides = array<i32>} : memref<80xi32, #tpu.memory_space<vmem>>, vector<16xi32>,
        %swap3A_650 = arith.constant 64 : index
        %swap3A_651 = tpu.vector_load %arg16[%swap3A_650] {strides = array<i32>} : memref<80xi32, #tpu.memory_space<vmem>>, vector<16xi32>,
        %swap3A_652 = vector.shape_cast %swap3A_651 : vector<16xi32> to vector<16xi32>
        %swap3A_653 = vector.shape_cast %and3A_633 : vector<16xi32> to vector<16xi32>
        tpu.vector_store %arg16[%swap3A_650], %swap3A_653 {strides = array<i32>} : memref<80xi32, #tpu.memory_space<vmem>>, vector<16xi32>,
        %add3A_654 = arith.constant 2 : i32
        %add3A_655 = arith.addi %add3A_375, %add3A_654 : i32
        %dma_start3A_656 = arith.constant 0 : i32
        %dma_start3A_657 = arith.constant 0 : i32
        %dma_start3A_658 = tpu.memref_slice %arg2[%dma_start3A_656, %dma_start3A_657] : memref<320000x128xf32, #tpu.memory_space<hbm>> -> memref<320000x128xf32, #tpu.memory_space<hbm>>
        tpu.enqueue_indirect_dma source(%dma_start3A_658 : memref<320000x128xf32, #tpu.memory_space<hbm>>) target(%arg20 : memref<80x128xf32, #tpu.memory_space<vmem>>) offsets(%arg12 : memref<80xi32, #tpu.memory_space<vmem>>) semaphore(%arg29 : memref<!tpu.dma_semaphore, #tpu.memory_space<semaphore_mem>>)
      } else {
      }
      %add3A_393 = arith.constant 4 : i32
      %add3A_394 = arith.addi %add3A_375, %add3A_393 : i32
      %lt3A_395 = arith.constant 125 : i32
      %lt3A_396 = arith.cmpi slt, %add3A_394, %lt3A_395 : i32
      %convert_element_type3A_397 = arith.extui %lt3A_396 : i1 to i32
      %cond3A_398 = arith.constant 0 : i32
      %cond3A_399 = arith.cmpi ne, %convert_element_type3A_397, %cond3A_398 : i32
      scf.if %cond3A_399 {
        %add3A_487 = arith.constant 4 : i32
        %add3A_488 = arith.addi %add3A_375, %add3A_487 : i32
        %mul3A_489 = arith.constant 80 : i32
        %mul3A_490 = arith.muli %add3A_488, %mul3A_489 : i32
        %add3A_491 = arith.addi %multiple_of3A, %mul3A_490 : i32
        %dma_start3A_492 = tpu.memref_slice %arg3[%add3A_491] : memref<160000xi32, #tpu.memory_space<hbm>> -> memref<80xi32, #tpu.memory_space<hbm>>
        %dma_start3A_493 = tpu.memref_slice %arg3[%add3A_491] : memref<160000xi32, #tpu.memory_space<hbm>> -> memref<80xi32, #tpu.memory_space<hbm>>
        tpu.enqueue_dma source(%dma_start3A_493 : memref<80xi32, #tpu.memory_space<hbm>>) target(%arg6 : memref<80xi32, #tpu.memory_space<vmem>>) target_semaphore(%arg23 : memref<!tpu.dma_semaphore, #tpu.memory_space<semaphore_mem>>)
      } else {
      }
      %mul3A_400 = arith.constant 4 : i32
      %mul3A_401 = arith.muli %scan3A_371, %mul3A_400 : i32
      %add3A_402 = arith.constant 1 : i32
      %add3A_403 = arith.addi %mul3A_401, %add3A_402 : i32
      %dma_wait3A_404 = arith.constant 0 : i32
      %dma_wait3A_405 = arith.constant 0 : i32
      %dma_wait3A_406 = tpu.memref_slice %arg2[%dma_wait3A_404, %dma_wait3A_405] : memref<320000x128xf32, #tpu.memory_space<hbm>> -> memref<320000x128xf32, #tpu.memory_space<hbm>>
      tpu.wait_indirect_dma semaphore(%arg28 : memref<!tpu.dma_semaphore, #tpu.memory_space<semaphore_mem>>) src(%dma_wait3A_406 : memref<320000x128xf32, #tpu.memory_space<hbm>>) dst(%arg19 : memref<80x128xf32, #tpu.memory_space<vmem>>)
      %dma_start3A_407 = arith.constant 0 : i32
      %dma_start3A_408 = arith.constant 0 : i32
      %dma_start3A_409 = tpu.memref_slice %arg22[%dma_start3A_407, %dma_start3A_408] : memref<10000x128xf32, #tpu.memory_space<vmem_shared>> -> memref<10000x128xf32, #tpu.memory_space<vmem_shared>>
      tpu.enqueue_indirect_dma source(%arg19 : memref<80x128xf32, #tpu.memory_space<vmem>>) target(%dma_start3A_409 : memref<10000x128xf32, #tpu.memory_space<vmem_shared>>) offsets(%arg15 : memref<80xi32, #tpu.memory_space<vmem>>) semaphore(%arg32 : memref<!tpu.dma_semaphore, #tpu.memory_space<semaphore_mem>>) {add = true}
      %ge3A_410 = arith.constant 2 : i32
      %ge3A_411 = arith.cmpi sge, %add3A_403, %ge3A_410 : i32
      %convert_element_type3A_412 = arith.extui %ge3A_411 : i1 to i32
      %cond3A_413 = arith.constant 0 : i32
      %cond3A_414 = arith.cmpi ne, %convert_element_type3A_412, %cond3A_413 : i32
      scf.if %cond3A_414 {
        %sub3A = arith.constant 2 : i32
        %sub3A_487 = arith.subi %add3A_403, %sub3A : i32
        %dma_wait3A_488 = arith.constant 0 : i32
        %dma_wait3A_489 = arith.constant 0 : i32
        %dma_wait3A_490 = tpu.memref_slice %arg22[%dma_wait3A_488, %dma_wait3A_489] : memref<10000x128xf32, #tpu.memory_space<vmem_shared>> -> memref<10000x128xf32, #tpu.memory_space<vmem_shared>>
        tpu.wait_indirect_dma semaphore(%arg34 : memref<!tpu.dma_semaphore, #tpu.memory_space<semaphore_mem>>) src(%arg21 : memref<80x128xf32, #tpu.memory_space<vmem>>) dst(%dma_wait3A_490 : memref<10000x128xf32, #tpu.memory_space<vmem_shared>>)
      } else {
      }
      %add3A_415 = arith.constant 2 : i32
      %add3A_416 = arith.addi %add3A_403, %add3A_415 : i32
      %lt3A_417 = arith.constant 125 : i32
      %lt3A_418 = arith.cmpi slt, %add3A_416, %lt3A_417 : i32
      %convert_element_type3A_419 = arith.extui %lt3A_418 : i1 to i32
      %cond3A_420 = arith.constant 0 : i32
      %cond3A_421 = arith.cmpi ne, %convert_element_type3A_419, %cond3A_420 : i32
      scf.if %cond3A_421 {
        %add3A_487 = arith.constant 2 : i32
        %add3A_488 = arith.addi %add3A_403, %add3A_487 : i32
        %mul3A_489 = arith.constant 80 : i32
        %mul3A_490 = arith.muli %add3A_488, %mul3A_489 : i32
        %add3A_491 = arith.addi %multiple_of3A, %mul3A_490 : i32
        %dma_wait3A_492 = tpu.memref_slice %arg3[%add3A_491] : memref<160000xi32, #tpu.memory_space<hbm>> -> memref<80xi32, #tpu.memory_space<hbm>>
        %dma_wait3A_493 = tpu.memref_slice %arg3[%add3A_491] : memref<160000xi32, #tpu.memory_space<hbm>> -> memref<80xi32, #tpu.memory_space<hbm>>
        tpu.wait_dma2 semaphore(%arg26 : memref<!tpu.dma_semaphore, #tpu.memory_space<semaphore_mem>>) src(%dma_wait3A_493 : memref<80xi32, #tpu.memory_space<hbm>>) dst(%arg9 : memref<80xi32, #tpu.memory_space<vmem>>)
        %get3A_494 = arith.constant 0 : index
        %get3A_495 = tpu.vector_load %arg9[%get3A_494] {strides = array<i32>} : memref<80xi32, #tpu.memory_space<vmem>>, vector<16xi32>,
        %get3A_496 = vector.shape_cast %get3A_495 : vector<16xi32> to vector<16xi32>
        %and3A_497 = arith.constant 16383 : i32
        %and3A_498 = vector.broadcast %and3A_497 : i32 to vector<16xi32>
        %and3A_499 = arith.andi %get3A_496, %and3A_498 : vector<16xi32>
        %shift_right_logical3A_500 = arith.constant 14 : i32
        %shift_right_logical3A_501 = vector.broadcast %shift_right_logical3A_500 : i32 to vector<16xi32>
        %shift_right_logical3A_502 = arith.shrui %get3A_496, %shift_right_logical3A_501 : vector<16xi32>
        %and3A_503 = arith.constant 16383 : i32
        %and3A_504 = vector.broadcast %and3A_503 : i32 to vector<16xi32>
        %and3A_505 = arith.andi %shift_right_logical3A_502, %and3A_504 : vector<16xi32>
        %shift_right_logical3A_506 = arith.constant 28 : i32
        %shift_right_logical3A_507 = vector.broadcast %shift_right_logical3A_506 : i32 to vector<16xi32>
        %shift_right_logical3A_508 = arith.shrui %get3A_496, %shift_right_logical3A_507 : vector<16xi32>
        %mul3A_509 = arith.constant 2 : i32
        %mul3A_510 = vector.broadcast %mul3A_509 : i32 to vector<16xi32>
        %mul3A_511 = arith.muli %shift_right_logical3A_508, %mul3A_510 : vector<16xi32>
        %add3A_512 = vector.broadcast %arg0 : i32 to vector<16xi32>
        %add3A_513 = arith.addi %mul3A_511, %add3A_512 : vector<16xi32>
        %mul3A_514 = arith.constant 10000 : i32
        %mul3A_515 = vector.broadcast %mul3A_514 : i32 to vector<16xi32>
        %mul3A_516 = arith.muli %add3A_513, %mul3A_515 : vector<16xi32>
        %add3A_517 = arith.addi %mul3A_516, %and3A_499 : vector<16xi32>
        %swap3A_518 = arith.constant 0 : index
        %swap3A_519 = tpu.vector_load %arg13[%swap3A_518] {strides = array<i32>} : memref<80xi32, #tpu.memory_space<vmem>>, vector<16xi32>,
        %swap3A_520 = vector.shape_cast %swap3A_519 : vector<16xi32> to vector<16xi32>
        %swap3A_521 = vector.shape_cast %add3A_517 : vector<16xi32> to vector<16xi32>
        tpu.vector_store %arg13[%swap3A_518], %swap3A_521 {strides = array<i32>} : memref<80xi32, #tpu.memory_space<vmem>>, vector<16xi32>,
        %swap3A_522 = arith.constant 0 : index
        %swap3A_523 = tpu.vector_load %arg17[%swap3A_522] {strides = array<i32>} : memref<80xi32, #tpu.memory_space<vmem>>, vector<16xi32>,
        %swap3A_524 = vector.shape_cast %swap3A_523 : vector<16xi32> to vector<16xi32>
        %swap3A_525 = vector.shape_cast %and3A_505 : vector<16xi32> to vector<16xi32>
        tpu.vector_store %arg17[%swap3A_522], %swap3A_525 {strides = array<i32>} : memref<80xi32, #tpu.memory_space<vmem>>, vector<16xi32>,
        %get3A_526 = arith.constant 16 : index
        %get3A_527 = tpu.vector_load %arg9[%get3A_526] {strides = array<i32>} : memref<80xi32, #tpu.memory_space<vmem>>, vector<16xi32>,
        %get3A_528 = vector.shape_cast %get3A_527 : vector<16xi32> to vector<16xi32>
        %and3A_529 = arith.constant 16383 : i32
        %and3A_530 = vector.broadcast %and3A_529 : i32 to vector<16xi32>
        %and3A_531 = arith.andi %get3A_528, %and3A_530 : vector<16xi32>
        %shift_right_logical3A_532 = arith.constant 14 : i32
        %shift_right_logical3A_533 = vector.broadcast %shift_right_logical3A_532 : i32 to vector<16xi32>
        %shift_right_logical3A_534 = arith.shrui %get3A_528, %shift_right_logical3A_533 : vector<16xi32>
        %and3A_535 = arith.constant 16383 : i32
        %and3A_536 = vector.broadcast %and3A_535 : i32 to vector<16xi32>
        %and3A_537 = arith.andi %shift_right_logical3A_534, %and3A_536 : vector<16xi32>
        %shift_right_logical3A_538 = arith.constant 28 : i32
        %shift_right_logical3A_539 = vector.broadcast %shift_right_logical3A_538 : i32 to vector<16xi32>
        %shift_right_logical3A_540 = arith.shrui %get3A_528, %shift_right_logical3A_539 : vector<16xi32>
        %mul3A_541 = arith.constant 2 : i32
        %mul3A_542 = vector.broadcast %mul3A_541 : i32 to vector<16xi32>
        %mul3A_543 = arith.muli %shift_right_logical3A_540, %mul3A_542 : vector<16xi32>
        %add3A_544 = vector.broadcast %arg0 : i32 to vector<16xi32>
        %add3A_545 = arith.addi %mul3A_543, %add3A_544 : vector<16xi32>
        %mul3A_546 = arith.constant 10000 : i32
        %mul3A_547 = vector.broadcast %mul3A_546 : i32 to vector<16xi32>
        %mul3A_548 = arith.muli %add3A_545, %mul3A_547 : vector<16xi32>
        %add3A_549 = arith.addi %mul3A_548, %and3A_531 : vector<16xi32>
        %swap3A_550 = arith.constant 16 : index
        %swap3A_551 = tpu.vector_load %arg13[%swap3A_550] {strides = array<i32>} : memref<80xi32, #tpu.memory_space<vmem>>, vector<16xi32>,
        %swap3A_552 = vector.shape_cast %swap3A_551 : vector<16xi32> to vector<16xi32>
        %swap3A_553 = vector.shape_cast %add3A_549 : vector<16xi32> to vector<16xi32>
        tpu.vector_store %arg13[%swap3A_550], %swap3A_553 {strides = array<i32>} : memref<80xi32, #tpu.memory_space<vmem>>, vector<16xi32>,
        %swap3A_554 = arith.constant 16 : index
        %swap3A_555 = tpu.vector_load %arg17[%swap3A_554] {strides = array<i32>} : memref<80xi32, #tpu.memory_space<vmem>>, vector<16xi32>,
        %swap3A_556 = vector.shape_cast %swap3A_555 : vector<16xi32> to vector<16xi32>
        %swap3A_557 = vector.shape_cast %and3A_537 : vector<16xi32> to vector<16xi32>
        tpu.vector_store %arg17[%swap3A_554], %swap3A_557 {strides = array<i32>} : memref<80xi32, #tpu.memory_space<vmem>>, vector<16xi32>,
        %get3A_558 = arith.constant 32 : index
        %get3A_559 = tpu.vector_load %arg9[%get3A_558] {strides = array<i32>} : memref<80xi32, #tpu.memory_space<vmem>>, vector<16xi32>,
        %get3A_560 = vector.shape_cast %get3A_559 : vector<16xi32> to vector<16xi32>
        %and3A_561 = arith.constant 16383 : i32
        %and3A_562 = vector.broadcast %and3A_561 : i32 to vector<16xi32>
        %and3A_563 = arith.andi %get3A_560, %and3A_562 : vector<16xi32>
        %shift_right_logical3A_564 = arith.constant 14 : i32
        %shift_right_logical3A_565 = vector.broadcast %shift_right_logical3A_564 : i32 to vector<16xi32>
        %shift_right_logical3A_566 = arith.shrui %get3A_560, %shift_right_logical3A_565 : vector<16xi32>
        %and3A_567 = arith.constant 16383 : i32
        %and3A_568 = vector.broadcast %and3A_567 : i32 to vector<16xi32>
        %and3A_569 = arith.andi %shift_right_logical3A_566, %and3A_568 : vector<16xi32>
        %shift_right_logical3A_570 = arith.constant 28 : i32
        %shift_right_logical3A_571 = vector.broadcast %shift_right_logical3A_570 : i32 to vector<16xi32>
        %shift_right_logical3A_572 = arith.shrui %get3A_560, %shift_right_logical3A_571 : vector<16xi32>
        %mul3A_573 = arith.constant 2 : i32
        %mul3A_574 = vector.broadcast %mul3A_573 : i32 to vector<16xi32>
        %mul3A_575 = arith.muli %shift_right_logical3A_572, %mul3A_574 : vector<16xi32>
        %add3A_576 = vector.broadcast %arg0 : i32 to vector<16xi32>
        %add3A_577 = arith.addi %mul3A_575, %add3A_576 : vector<16xi32>
        %mul3A_578 = arith.constant 10000 : i32
        %mul3A_579 = vector.broadcast %mul3A_578 : i32 to vector<16xi32>
        %mul3A_580 = arith.muli %add3A_577, %mul3A_579 : vector<16xi32>
        %add3A_581 = arith.addi %mul3A_580, %and3A_563 : vector<16xi32>
        %swap3A_582 = arith.constant 32 : index
        %swap3A_583 = tpu.vector_load %arg13[%swap3A_582] {strides = array<i32>} : memref<80xi32, #tpu.memory_space<vmem>>, vector<16xi32>,
        %swap3A_584 = vector.shape_cast %swap3A_583 : vector<16xi32> to vector<16xi32>
        %swap3A_585 = vector.shape_cast %add3A_581 : vector<16xi32> to vector<16xi32>
        tpu.vector_store %arg13[%swap3A_582], %swap3A_585 {strides = array<i32>} : memref<80xi32, #tpu.memory_space<vmem>>, vector<16xi32>,
        %swap3A_586 = arith.constant 32 : index
        %swap3A_587 = tpu.vector_load %arg17[%swap3A_586] {strides = array<i32>} : memref<80xi32, #tpu.memory_space<vmem>>, vector<16xi32>,
        %swap3A_588 = vector.shape_cast %swap3A_587 : vector<16xi32> to vector<16xi32>
        %swap3A_589 = vector.shape_cast %and3A_569 : vector<16xi32> to vector<16xi32>
        tpu.vector_store %arg17[%swap3A_586], %swap3A_589 {strides = array<i32>} : memref<80xi32, #tpu.memory_space<vmem>>, vector<16xi32>,
        %get3A_590 = arith.constant 48 : index
        %get3A_591 = tpu.vector_load %arg9[%get3A_590] {strides = array<i32>} : memref<80xi32, #tpu.memory_space<vmem>>, vector<16xi32>,
        %get3A_592 = vector.shape_cast %get3A_591 : vector<16xi32> to vector<16xi32>
        %and3A_593 = arith.constant 16383 : i32
        %and3A_594 = vector.broadcast %and3A_593 : i32 to vector<16xi32>
        %and3A_595 = arith.andi %get3A_592, %and3A_594 : vector<16xi32>
        %shift_right_logical3A_596 = arith.constant 14 : i32
        %shift_right_logical3A_597 = vector.broadcast %shift_right_logical3A_596 : i32 to vector<16xi32>
        %shift_right_logical3A_598 = arith.shrui %get3A_592, %shift_right_logical3A_597 : vector<16xi32>
        %and3A_599 = arith.constant 16383 : i32
        %and3A_600 = vector.broadcast %and3A_599 : i32 to vector<16xi32>
        %and3A_601 = arith.andi %shift_right_logical3A_598, %and3A_600 : vector<16xi32>
        %shift_right_logical3A_602 = arith.constant 28 : i32
        %shift_right_logical3A_603 = vector.broadcast %shift_right_logical3A_602 : i32 to vector<16xi32>
        %shift_right_logical3A_604 = arith.shrui %get3A_592, %shift_right_logical3A_603 : vector<16xi32>
        %mul3A_605 = arith.constant 2 : i32
        %mul3A_606 = vector.broadcast %mul3A_605 : i32 to vector<16xi32>
        %mul3A_607 = arith.muli %shift_right_logical3A_604, %mul3A_606 : vector<16xi32>
        %add3A_608 = vector.broadcast %arg0 : i32 to vector<16xi32>
        %add3A_609 = arith.addi %mul3A_607, %add3A_608 : vector<16xi32>
        %mul3A_610 = arith.constant 10000 : i32
        %mul3A_611 = vector.broadcast %mul3A_610 : i32 to vector<16xi32>
        %mul3A_612 = arith.muli %add3A_609, %mul3A_611 : vector<16xi32>
        %add3A_613 = arith.addi %mul3A_612, %and3A_595 : vector<16xi32>
        %swap3A_614 = arith.constant 48 : index
        %swap3A_615 = tpu.vector_load %arg13[%swap3A_614] {strides = array<i32>} : memref<80xi32, #tpu.memory_space<vmem>>, vector<16xi32>,
        %swap3A_616 = vector.shape_cast %swap3A_615 : vector<16xi32> to vector<16xi32>
        %swap3A_617 = vector.shape_cast %add3A_613 : vector<16xi32> to vector<16xi32>
        tpu.vector_store %arg13[%swap3A_614], %swap3A_617 {strides = array<i32>} : memref<80xi32, #tpu.memory_space<vmem>>, vector<16xi32>,
        %swap3A_618 = arith.constant 48 : index
        %swap3A_619 = tpu.vector_load %arg17[%swap3A_618] {strides = array<i32>} : memref<80xi32, #tpu.memory_space<vmem>>, vector<16xi32>,
        %swap3A_620 = vector.shape_cast %swap3A_619 : vector<16xi32> to vector<16xi32>
        %swap3A_621 = vector.shape_cast %and3A_601 : vector<16xi32> to vector<16xi32>
        tpu.vector_store %arg17[%swap3A_618], %swap3A_621 {strides = array<i32>} : memref<80xi32, #tpu.memory_space<vmem>>, vector<16xi32>,
        %get3A_622 = arith.constant 64 : index
        %get3A_623 = tpu.vector_load %arg9[%get3A_622] {strides = array<i32>} : memref<80xi32, #tpu.memory_space<vmem>>, vector<16xi32>,
        %get3A_624 = vector.shape_cast %get3A_623 : vector<16xi32> to vector<16xi32>
        %and3A_625 = arith.constant 16383 : i32
        %and3A_626 = vector.broadcast %and3A_625 : i32 to vector<16xi32>
        %and3A_627 = arith.andi %get3A_624, %and3A_626 : vector<16xi32>
        %shift_right_logical3A_628 = arith.constant 14 : i32
        %shift_right_logical3A_629 = vector.broadcast %shift_right_logical3A_628 : i32 to vector<16xi32>
        %shift_right_logical3A_630 = arith.shrui %get3A_624, %shift_right_logical3A_629 : vector<16xi32>
        %and3A_631 = arith.constant 16383 : i32
        %and3A_632 = vector.broadcast %and3A_631 : i32 to vector<16xi32>
        %and3A_633 = arith.andi %shift_right_logical3A_630, %and3A_632 : vector<16xi32>
        %shift_right_logical3A_634 = arith.constant 28 : i32
        %shift_right_logical3A_635 = vector.broadcast %shift_right_logical3A_634 : i32 to vector<16xi32>
        %shift_right_logical3A_636 = arith.shrui %get3A_624, %shift_right_logical3A_635 : vector<16xi32>
        %mul3A_637 = arith.constant 2 : i32
        %mul3A_638 = vector.broadcast %mul3A_637 : i32 to vector<16xi32>
        %mul3A_639 = arith.muli %shift_right_logical3A_636, %mul3A_638 : vector<16xi32>
        %add3A_640 = vector.broadcast %arg0 : i32 to vector<16xi32>
        %add3A_641 = arith.addi %mul3A_639, %add3A_640 : vector<16xi32>
        %mul3A_642 = arith.constant 10000 : i32
        %mul3A_643 = vector.broadcast %mul3A_642 : i32 to vector<16xi32>
        %mul3A_644 = arith.muli %add3A_641, %mul3A_643 : vector<16xi32>
        %add3A_645 = arith.addi %mul3A_644, %and3A_627 : vector<16xi32>
        %swap3A_646 = arith.constant 64 : index
        %swap3A_647 = tpu.vector_load %arg13[%swap3A_646] {strides = array<i32>} : memref<80xi32, #tpu.memory_space<vmem>>, vector<16xi32>,
        %swap3A_648 = vector.shape_cast %swap3A_647 : vector<16xi32> to vector<16xi32>
        %swap3A_649 = vector.shape_cast %add3A_645 : vector<16xi32> to vector<16xi32>
        tpu.vector_store %arg13[%swap3A_646], %swap3A_649 {strides = array<i32>} : memref<80xi32, #tpu.memory_space<vmem>>, vector<16xi32>,
        %swap3A_650 = arith.constant 64 : index
        %swap3A_651 = tpu.vector_load %arg17[%swap3A_650] {strides = array<i32>} : memref<80xi32, #tpu.memory_space<vmem>>, vector<16xi32>,
        %swap3A_652 = vector.shape_cast %swap3A_651 : vector<16xi32> to vector<16xi32>
        %swap3A_653 = vector.shape_cast %and3A_633 : vector<16xi32> to vector<16xi32>
        tpu.vector_store %arg17[%swap3A_650], %swap3A_653 {strides = array<i32>} : memref<80xi32, #tpu.memory_space<vmem>>, vector<16xi32>,
        %add3A_654 = arith.constant 2 : i32
        %add3A_655 = arith.addi %add3A_403, %add3A_654 : i32
        %dma_start3A_656 = arith.constant 0 : i32
        %dma_start3A_657 = arith.constant 0 : i32
        %dma_start3A_658 = tpu.memref_slice %arg2[%dma_start3A_656, %dma_start3A_657] : memref<320000x128xf32, #tpu.memory_space<hbm>> -> memref<320000x128xf32, #tpu.memory_space<hbm>>
        tpu.enqueue_indirect_dma source(%dma_start3A_658 : memref<320000x128xf32, #tpu.memory_space<hbm>>) target(%arg21 : memref<80x128xf32, #tpu.memory_space<vmem>>) offsets(%arg13 : memref<80xi32, #tpu.memory_space<vmem>>) semaphore(%arg30 : memref<!tpu.dma_semaphore, #tpu.memory_space<semaphore_mem>>)
      } else {
      }
      %add3A_422 = arith.constant 4 : i32
      %add3A_423 = arith.addi %add3A_403, %add3A_422 : i32
      %lt3A_424 = arith.constant 125 : i32
      %lt3A_425 = arith.cmpi slt, %add3A_423, %lt3A_424 : i32
      %convert_element_type3A_426 = arith.extui %lt3A_425 : i1 to i32
      %cond3A_427 = arith.constant 0 : i32
      %cond3A_428 = arith.cmpi ne, %convert_element_type3A_426, %cond3A_427 : i32
      scf.if %cond3A_428 {
        %add3A_487 = arith.constant 4 : i32
        %add3A_488 = arith.addi %add3A_403, %add3A_487 : i32
        %mul3A_489 = arith.constant 80 : i32
        %mul3A_490 = arith.muli %add3A_488, %mul3A_489 : i32
        %add3A_491 = arith.addi %multiple_of3A, %mul3A_490 : i32
        %dma_start3A_492 = tpu.memref_slice %arg3[%add3A_491] : memref<160000xi32, #tpu.memory_space<hbm>> -> memref<80xi32, #tpu.memory_space<hbm>>
        %dma_start3A_493 = tpu.memref_slice %arg3[%add3A_491] : memref<160000xi32, #tpu.memory_space<hbm>> -> memref<80xi32, #tpu.memory_space<hbm>>
        tpu.enqueue_dma source(%dma_start3A_493 : memref<80xi32, #tpu.memory_space<hbm>>) target(%arg7 : memref<80xi32, #tpu.memory_space<vmem>>) target_semaphore(%arg24 : memref<!tpu.dma_semaphore, #tpu.memory_space<semaphore_mem>>)
      } else {
      }
      %mul3A_429 = arith.constant 4 : i32
      %mul3A_430 = arith.muli %scan3A_371, %mul3A_429 : i32
      %add3A_431 = arith.constant 2 : i32
      %add3A_432 = arith.addi %mul3A_430, %add3A_431 : i32
      %dma_wait3A_433 = arith.constant 0 : i32
      %dma_wait3A_434 = arith.constant 0 : i32
      %dma_wait3A_435 = tpu.memref_slice %arg2[%dma_wait3A_433, %dma_wait3A_434] : memref<320000x128xf32, #tpu.memory_space<hbm>> -> memref<320000x128xf32, #tpu.memory_space<hbm>>
      tpu.wait_indirect_dma semaphore(%arg29 : memref<!tpu.dma_semaphore, #tpu.memory_space<semaphore_mem>>) src(%dma_wait3A_435 : memref<320000x128xf32, #tpu.memory_space<hbm>>) dst(%arg20 : memref<80x128xf32, #tpu.memory_space<vmem>>)
      %dma_start3A_436 = arith.constant 0 : i32
      %dma_start3A_437 = arith.constant 0 : i32
      %dma_start3A_438 = tpu.memref_slice %arg22[%dma_start3A_436, %dma_start3A_437] : memref<10000x128xf32, #tpu.memory_space<vmem_shared>> -> memref<10000x128xf32, #tpu.memory_space<vmem_shared>>
      tpu.enqueue_indirect_dma source(%arg20 : memref<80x128xf32, #tpu.memory_space<vmem>>) target(%dma_start3A_438 : memref<10000x128xf32, #tpu.memory_space<vmem_shared>>) offsets(%arg16 : memref<80xi32, #tpu.memory_space<vmem>>) semaphore(%arg33 : memref<!tpu.dma_semaphore, #tpu.memory_space<semaphore_mem>>) {add = true}
      %ge3A_439 = arith.constant 2 : i32
      %ge3A_440 = arith.cmpi sge, %add3A_432, %ge3A_439 : i32
      %convert_element_type3A_441 = arith.extui %ge3A_440 : i1 to i32
      %cond3A_442 = arith.constant 0 : i32
      %cond3A_443 = arith.cmpi ne, %convert_element_type3A_441, %cond3A_442 : i32
      scf.if %cond3A_443 {
        %sub3A = arith.constant 2 : i32
        %sub3A_487 = arith.subi %add3A_432, %sub3A : i32
        %dma_wait3A_488 = arith.constant 0 : i32
        %dma_wait3A_489 = arith.constant 0 : i32
        %dma_wait3A_490 = tpu.memref_slice %arg22[%dma_wait3A_488, %dma_wait3A_489] : memref<10000x128xf32, #tpu.memory_space<vmem_shared>> -> memref<10000x128xf32, #tpu.memory_space<vmem_shared>>
        tpu.wait_indirect_dma semaphore(%arg31 : memref<!tpu.dma_semaphore, #tpu.memory_space<semaphore_mem>>) src(%arg18 : memref<80x128xf32, #tpu.memory_space<vmem>>) dst(%dma_wait3A_490 : memref<10000x128xf32, #tpu.memory_space<vmem_shared>>)
      } else {
      }
      %add3A_444 = arith.constant 2 : i32
      %add3A_445 = arith.addi %add3A_432, %add3A_444 : i32
      %lt3A_446 = arith.constant 125 : i32
      %lt3A_447 = arith.cmpi slt, %add3A_445, %lt3A_446 : i32
      %convert_element_type3A_448 = arith.extui %lt3A_447 : i1 to i32
      %cond3A_449 = arith.constant 0 : i32
      %cond3A_450 = arith.cmpi ne, %convert_element_type3A_448, %cond3A_449 : i32
      scf.if %cond3A_450 {
        %add3A_487 = arith.constant 2 : i32
        %add3A_488 = arith.addi %add3A_432, %add3A_487 : i32
        %mul3A_489 = arith.constant 80 : i32
        %mul3A_490 = arith.muli %add3A_488, %mul3A_489 : i32
        %add3A_491 = arith.addi %multiple_of3A, %mul3A_490 : i32
        %dma_wait3A_492 = tpu.memref_slice %arg3[%add3A_491] : memref<160000xi32, #tpu.memory_space<hbm>> -> memref<80xi32, #tpu.memory_space<hbm>>
        %dma_wait3A_493 = tpu.memref_slice %arg3[%add3A_491] : memref<160000xi32, #tpu.memory_space<hbm>> -> memref<80xi32, #tpu.memory_space<hbm>>
        tpu.wait_dma2 semaphore(%arg23 : memref<!tpu.dma_semaphore, #tpu.memory_space<semaphore_mem>>) src(%dma_wait3A_493 : memref<80xi32, #tpu.memory_space<hbm>>) dst(%arg6 : memref<80xi32, #tpu.memory_space<vmem>>)
        %get3A_494 = arith.constant 0 : index
        %get3A_495 = tpu.vector_load %arg6[%get3A_494] {strides = array<i32>} : memref<80xi32, #tpu.memory_space<vmem>>, vector<16xi32>,
        %get3A_496 = vector.shape_cast %get3A_495 : vector<16xi32> to vector<16xi32>
        %and3A_497 = arith.constant 16383 : i32
        %and3A_498 = vector.broadcast %and3A_497 : i32 to vector<16xi32>
        %and3A_499 = arith.andi %get3A_496, %and3A_498 : vector<16xi32>
        %shift_right_logical3A_500 = arith.constant 14 : i32
        %shift_right_logical3A_501 = vector.broadcast %shift_right_logical3A_500 : i32 to vector<16xi32>
        %shift_right_logical3A_502 = arith.shrui %get3A_496, %shift_right_logical3A_501 : vector<16xi32>
        %and3A_503 = arith.constant 16383 : i32
        %and3A_504 = vector.broadcast %and3A_503 : i32 to vector<16xi32>
        %and3A_505 = arith.andi %shift_right_logical3A_502, %and3A_504 : vector<16xi32>
        %shift_right_logical3A_506 = arith.constant 28 : i32
        %shift_right_logical3A_507 = vector.broadcast %shift_right_logical3A_506 : i32 to vector<16xi32>
        %shift_right_logical3A_508 = arith.shrui %get3A_496, %shift_right_logical3A_507 : vector<16xi32>
        %mul3A_509 = arith.constant 2 : i32
        %mul3A_510 = vector.broadcast %mul3A_509 : i32 to vector<16xi32>
        %mul3A_511 = arith.muli %shift_right_logical3A_508, %mul3A_510 : vector<16xi32>
        %add3A_512 = vector.broadcast %arg0 : i32 to vector<16xi32>
        %add3A_513 = arith.addi %mul3A_511, %add3A_512 : vector<16xi32>
        %mul3A_514 = arith.constant 10000 : i32
        %mul3A_515 = vector.broadcast %mul3A_514 : i32 to vector<16xi32>
        %mul3A_516 = arith.muli %add3A_513, %mul3A_515 : vector<16xi32>
        %add3A_517 = arith.addi %mul3A_516, %and3A_499 : vector<16xi32>
        %swap3A_518 = arith.constant 0 : index
        %swap3A_519 = tpu.vector_load %arg10[%swap3A_518] {strides = array<i32>} : memref<80xi32, #tpu.memory_space<vmem>>, vector<16xi32>,
        %swap3A_520 = vector.shape_cast %swap3A_519 : vector<16xi32> to vector<16xi32>
        %swap3A_521 = vector.shape_cast %add3A_517 : vector<16xi32> to vector<16xi32>
        tpu.vector_store %arg10[%swap3A_518], %swap3A_521 {strides = array<i32>} : memref<80xi32, #tpu.memory_space<vmem>>, vector<16xi32>,
        %swap3A_522 = arith.constant 0 : index
        %swap3A_523 = tpu.vector_load %arg14[%swap3A_522] {strides = array<i32>} : memref<80xi32, #tpu.memory_space<vmem>>, vector<16xi32>,
        %swap3A_524 = vector.shape_cast %swap3A_523 : vector<16xi32> to vector<16xi32>
        %swap3A_525 = vector.shape_cast %and3A_505 : vector<16xi32> to vector<16xi32>
        tpu.vector_store %arg14[%swap3A_522], %swap3A_525 {strides = array<i32>} : memref<80xi32, #tpu.memory_space<vmem>>, vector<16xi32>,
        %get3A_526 = arith.constant 16 : index
        %get3A_527 = tpu.vector_load %arg6[%get3A_526] {strides = array<i32>} : memref<80xi32, #tpu.memory_space<vmem>>, vector<16xi32>,
        %get3A_528 = vector.shape_cast %get3A_527 : vector<16xi32> to vector<16xi32>
        %and3A_529 = arith.constant 16383 : i32
        %and3A_530 = vector.broadcast %and3A_529 : i32 to vector<16xi32>
        %and3A_531 = arith.andi %get3A_528, %and3A_530 : vector<16xi32>
        %shift_right_logical3A_532 = arith.constant 14 : i32
        %shift_right_logical3A_533 = vector.broadcast %shift_right_logical3A_532 : i32 to vector<16xi32>
        %shift_right_logical3A_534 = arith.shrui %get3A_528, %shift_right_logical3A_533 : vector<16xi32>
        %and3A_535 = arith.constant 16383 : i32
        %and3A_536 = vector.broadcast %and3A_535 : i32 to vector<16xi32>
        %and3A_537 = arith.andi %shift_right_logical3A_534, %and3A_536 : vector<16xi32>
        %shift_right_logical3A_538 = arith.constant 28 : i32
        %shift_right_logical3A_539 = vector.broadcast %shift_right_logical3A_538 : i32 to vector<16xi32>
        %shift_right_logical3A_540 = arith.shrui %get3A_528, %shift_right_logical3A_539 : vector<16xi32>
        %mul3A_541 = arith.constant 2 : i32
        %mul3A_542 = vector.broadcast %mul3A_541 : i32 to vector<16xi32>
        %mul3A_543 = arith.muli %shift_right_logical3A_540, %mul3A_542 : vector<16xi32>
        %add3A_544 = vector.broadcast %arg0 : i32 to vector<16xi32>
        %add3A_545 = arith.addi %mul3A_543, %add3A_544 : vector<16xi32>
        %mul3A_546 = arith.constant 10000 : i32
        %mul3A_547 = vector.broadcast %mul3A_546 : i32 to vector<16xi32>
        %mul3A_548 = arith.muli %add3A_545, %mul3A_547 : vector<16xi32>
        %add3A_549 = arith.addi %mul3A_548, %and3A_531 : vector<16xi32>
        %swap3A_550 = arith.constant 16 : index
        %swap3A_551 = tpu.vector_load %arg10[%swap3A_550] {strides = array<i32>} : memref<80xi32, #tpu.memory_space<vmem>>, vector<16xi32>,
        %swap3A_552 = vector.shape_cast %swap3A_551 : vector<16xi32> to vector<16xi32>
        %swap3A_553 = vector.shape_cast %add3A_549 : vector<16xi32> to vector<16xi32>
        tpu.vector_store %arg10[%swap3A_550], %swap3A_553 {strides = array<i32>} : memref<80xi32, #tpu.memory_space<vmem>>, vector<16xi32>,
        %swap3A_554 = arith.constant 16 : index
        %swap3A_555 = tpu.vector_load %arg14[%swap3A_554] {strides = array<i32>} : memref<80xi32, #tpu.memory_space<vmem>>, vector<16xi32>,
        %swap3A_556 = vector.shape_cast %swap3A_555 : vector<16xi32> to vector<16xi32>
        %swap3A_557 = vector.shape_cast %and3A_537 : vector<16xi32> to vector<16xi32>
        tpu.vector_store %arg14[%swap3A_554], %swap3A_557 {strides = array<i32>} : memref<80xi32, #tpu.memory_space<vmem>>, vector<16xi32>,
        %get3A_558 = arith.constant 32 : index
        %get3A_559 = tpu.vector_load %arg6[%get3A_558] {strides = array<i32>} : memref<80xi32, #tpu.memory_space<vmem>>, vector<16xi32>,
        %get3A_560 = vector.shape_cast %get3A_559 : vector<16xi32> to vector<16xi32>
        %and3A_561 = arith.constant 16383 : i32
        %and3A_562 = vector.broadcast %and3A_561 : i32 to vector<16xi32>
        %and3A_563 = arith.andi %get3A_560, %and3A_562 : vector<16xi32>
        %shift_right_logical3A_564 = arith.constant 14 : i32
        %shift_right_logical3A_565 = vector.broadcast %shift_right_logical3A_564 : i32 to vector<16xi32>
        %shift_right_logical3A_566 = arith.shrui %get3A_560, %shift_right_logical3A_565 : vector<16xi32>
        %and3A_567 = arith.constant 16383 : i32
        %and3A_568 = vector.broadcast %and3A_567 : i32 to vector<16xi32>
        %and3A_569 = arith.andi %shift_right_logical3A_566, %and3A_568 : vector<16xi32>
        %shift_right_logical3A_570 = arith.constant 28 : i32
        %shift_right_logical3A_571 = vector.broadcast %shift_right_logical3A_570 : i32 to vector<16xi32>
        %shift_right_logical3A_572 = arith.shrui %get3A_560, %shift_right_logical3A_571 : vector<16xi32>
        %mul3A_573 = arith.constant 2 : i32
        %mul3A_574 = vector.broadcast %mul3A_573 : i32 to vector<16xi32>
        %mul3A_575 = arith.muli %shift_right_logical3A_572, %mul3A_574 : vector<16xi32>
        %add3A_576 = vector.broadcast %arg0 : i32 to vector<16xi32>
        %add3A_577 = arith.addi %mul3A_575, %add3A_576 : vector<16xi32>
        %mul3A_578 = arith.constant 10000 : i32
        %mul3A_579 = vector.broadcast %mul3A_578 : i32 to vector<16xi32>
        %mul3A_580 = arith.muli %add3A_577, %mul3A_579 : vector<16xi32>
        %add3A_581 = arith.addi %mul3A_580, %and3A_563 : vector<16xi32>
        %swap3A_582 = arith.constant 32 : index
        %swap3A_583 = tpu.vector_load %arg10[%swap3A_582] {strides = array<i32>} : memref<80xi32, #tpu.memory_space<vmem>>, vector<16xi32>,
        %swap3A_584 = vector.shape_cast %swap3A_583 : vector<16xi32> to vector<16xi32>
        %swap3A_585 = vector.shape_cast %add3A_581 : vector<16xi32> to vector<16xi32>
        tpu.vector_store %arg10[%swap3A_582], %swap3A_585 {strides = array<i32>} : memref<80xi32, #tpu.memory_space<vmem>>, vector<16xi32>,
        %swap3A_586 = arith.constant 32 : index
        %swap3A_587 = tpu.vector_load %arg14[%swap3A_586] {strides = array<i32>} : memref<80xi32, #tpu.memory_space<vmem>>, vector<16xi32>,
        %swap3A_588 = vector.shape_cast %swap3A_587 : vector<16xi32> to vector<16xi32>
        %swap3A_589 = vector.shape_cast %and3A_569 : vector<16xi32> to vector<16xi32>
        tpu.vector_store %arg14[%swap3A_586], %swap3A_589 {strides = array<i32>} : memref<80xi32, #tpu.memory_space<vmem>>, vector<16xi32>,
        %get3A_590 = arith.constant 48 : index
        %get3A_591 = tpu.vector_load %arg6[%get3A_590] {strides = array<i32>} : memref<80xi32, #tpu.memory_space<vmem>>, vector<16xi32>,
        %get3A_592 = vector.shape_cast %get3A_591 : vector<16xi32> to vector<16xi32>
        %and3A_593 = arith.constant 16383 : i32
        %and3A_594 = vector.broadcast %and3A_593 : i32 to vector<16xi32>
        %and3A_595 = arith.andi %get3A_592, %and3A_594 : vector<16xi32>
        %shift_right_logical3A_596 = arith.constant 14 : i32
        %shift_right_logical3A_597 = vector.broadcast %shift_right_logical3A_596 : i32 to vector<16xi32>
        %shift_right_logical3A_598 = arith.shrui %get3A_592, %shift_right_logical3A_597 : vector<16xi32>
        %and3A_599 = arith.constant 16383 : i32
        %and3A_600 = vector.broadcast %and3A_599 : i32 to vector<16xi32>
        %and3A_601 = arith.andi %shift_right_logical3A_598, %and3A_600 : vector<16xi32>
        %shift_right_logical3A_602 = arith.constant 28 : i32
        %shift_right_logical3A_603 = vector.broadcast %shift_right_logical3A_602 : i32 to vector<16xi32>
        %shift_right_logical3A_604 = arith.shrui %get3A_592, %shift_right_logical3A_603 : vector<16xi32>
        %mul3A_605 = arith.constant 2 : i32
        %mul3A_606 = vector.broadcast %mul3A_605 : i32 to vector<16xi32>
        %mul3A_607 = arith.muli %shift_right_logical3A_604, %mul3A_606 : vector<16xi32>
        %add3A_608 = vector.broadcast %arg0 : i32 to vector<16xi32>
        %add3A_609 = arith.addi %mul3A_607, %add3A_608 : vector<16xi32>
        %mul3A_610 = arith.constant 10000 : i32
        %mul3A_611 = vector.broadcast %mul3A_610 : i32 to vector<16xi32>
        %mul3A_612 = arith.muli %add3A_609, %mul3A_611 : vector<16xi32>
        %add3A_613 = arith.addi %mul3A_612, %and3A_595 : vector<16xi32>
        %swap3A_614 = arith.constant 48 : index
        %swap3A_615 = tpu.vector_load %arg10[%swap3A_614] {strides = array<i32>} : memref<80xi32, #tpu.memory_space<vmem>>, vector<16xi32>,
        %swap3A_616 = vector.shape_cast %swap3A_615 : vector<16xi32> to vector<16xi32>
        %swap3A_617 = vector.shape_cast %add3A_613 : vector<16xi32> to vector<16xi32>
        tpu.vector_store %arg10[%swap3A_614], %swap3A_617 {strides = array<i32>} : memref<80xi32, #tpu.memory_space<vmem>>, vector<16xi32>,
        %swap3A_618 = arith.constant 48 : index
        %swap3A_619 = tpu.vector_load %arg14[%swap3A_618] {strides = array<i32>} : memref<80xi32, #tpu.memory_space<vmem>>, vector<16xi32>,
        %swap3A_620 = vector.shape_cast %swap3A_619 : vector<16xi32> to vector<16xi32>
        %swap3A_621 = vector.shape_cast %and3A_601 : vector<16xi32> to vector<16xi32>
        tpu.vector_store %arg14[%swap3A_618], %swap3A_621 {strides = array<i32>} : memref<80xi32, #tpu.memory_space<vmem>>, vector<16xi32>,
        %get3A_622 = arith.constant 64 : index
        %get3A_623 = tpu.vector_load %arg6[%get3A_622] {strides = array<i32>} : memref<80xi32, #tpu.memory_space<vmem>>, vector<16xi32>,
        %get3A_624 = vector.shape_cast %get3A_623 : vector<16xi32> to vector<16xi32>
        %and3A_625 = arith.constant 16383 : i32
        %and3A_626 = vector.broadcast %and3A_625 : i32 to vector<16xi32>
        %and3A_627 = arith.andi %get3A_624, %and3A_626 : vector<16xi32>
        %shift_right_logical3A_628 = arith.constant 14 : i32
        %shift_right_logical3A_629 = vector.broadcast %shift_right_logical3A_628 : i32 to vector<16xi32>
        %shift_right_logical3A_630 = arith.shrui %get3A_624, %shift_right_logical3A_629 : vector<16xi32>
        %and3A_631 = arith.constant 16383 : i32
        %and3A_632 = vector.broadcast %and3A_631 : i32 to vector<16xi32>
        %and3A_633 = arith.andi %shift_right_logical3A_630, %and3A_632 : vector<16xi32>
        %shift_right_logical3A_634 = arith.constant 28 : i32
        %shift_right_logical3A_635 = vector.broadcast %shift_right_logical3A_634 : i32 to vector<16xi32>
        %shift_right_logical3A_636 = arith.shrui %get3A_624, %shift_right_logical3A_635 : vector<16xi32>
        %mul3A_637 = arith.constant 2 : i32
        %mul3A_638 = vector.broadcast %mul3A_637 : i32 to vector<16xi32>
        %mul3A_639 = arith.muli %shift_right_logical3A_636, %mul3A_638 : vector<16xi32>
        %add3A_640 = vector.broadcast %arg0 : i32 to vector<16xi32>
        %add3A_641 = arith.addi %mul3A_639, %add3A_640 : vector<16xi32>
        %mul3A_642 = arith.constant 10000 : i32
        %mul3A_643 = vector.broadcast %mul3A_642 : i32 to vector<16xi32>
        %mul3A_644 = arith.muli %add3A_641, %mul3A_643 : vector<16xi32>
        %add3A_645 = arith.addi %mul3A_644, %and3A_627 : vector<16xi32>
        %swap3A_646 = arith.constant 64 : index
        %swap3A_647 = tpu.vector_load %arg10[%swap3A_646] {strides = array<i32>} : memref<80xi32, #tpu.memory_space<vmem>>, vector<16xi32>,
        %swap3A_648 = vector.shape_cast %swap3A_647 : vector<16xi32> to vector<16xi32>
        %swap3A_649 = vector.shape_cast %add3A_645 : vector<16xi32> to vector<16xi32>
        tpu.vector_store %arg10[%swap3A_646], %swap3A_649 {strides = array<i32>} : memref<80xi32, #tpu.memory_space<vmem>>, vector<16xi32>,
        %swap3A_650 = arith.constant 64 : index
        %swap3A_651 = tpu.vector_load %arg14[%swap3A_650] {strides = array<i32>} : memref<80xi32, #tpu.memory_space<vmem>>, vector<16xi32>,
        %swap3A_652 = vector.shape_cast %swap3A_651 : vector<16xi32> to vector<16xi32>
        %swap3A_653 = vector.shape_cast %and3A_633 : vector<16xi32> to vector<16xi32>
        tpu.vector_store %arg14[%swap3A_650], %swap3A_653 {strides = array<i32>} : memref<80xi32, #tpu.memory_space<vmem>>, vector<16xi32>,
        %add3A_654 = arith.constant 2 : i32
        %add3A_655 = arith.addi %add3A_432, %add3A_654 : i32
        %dma_start3A_656 = arith.constant 0 : i32
        %dma_start3A_657 = arith.constant 0 : i32
        %dma_start3A_658 = tpu.memref_slice %arg2[%dma_start3A_656, %dma_start3A_657] : memref<320000x128xf32, #tpu.memory_space<hbm>> -> memref<320000x128xf32, #tpu.memory_space<hbm>>
        tpu.enqueue_indirect_dma source(%dma_start3A_658 : memref<320000x128xf32, #tpu.memory_space<hbm>>) target(%arg18 : memref<80x128xf32, #tpu.memory_space<vmem>>) offsets(%arg10 : memref<80xi32, #tpu.memory_space<vmem>>) semaphore(%arg27 : memref<!tpu.dma_semaphore, #tpu.memory_space<semaphore_mem>>)
      } else {
      }
      %add3A_451 = arith.constant 4 : i32
      %add3A_452 = arith.addi %add3A_432, %add3A_451 : i32
      %lt3A_453 = arith.constant 125 : i32
      %lt3A_454 = arith.cmpi slt, %add3A_452, %lt3A_453 : i32
      %convert_element_type3A_455 = arith.extui %lt3A_454 : i1 to i32
      %cond3A_456 = arith.constant 0 : i32
      %cond3A_457 = arith.cmpi ne, %convert_element_type3A_455, %cond3A_456 : i32
      scf.if %cond3A_457 {
        %add3A_487 = arith.constant 4 : i32
        %add3A_488 = arith.addi %add3A_432, %add3A_487 : i32
        %mul3A_489 = arith.constant 80 : i32
        %mul3A_490 = arith.muli %add3A_488, %mul3A_489 : i32
        %add3A_491 = arith.addi %multiple_of3A, %mul3A_490 : i32
        %dma_start3A_492 = tpu.memref_slice %arg3[%add3A_491] : memref<160000xi32, #tpu.memory_space<hbm>> -> memref<80xi32, #tpu.memory_space<hbm>>
        %dma_start3A_493 = tpu.memref_slice %arg3[%add3A_491] : memref<160000xi32, #tpu.memory_space<hbm>> -> memref<80xi32, #tpu.memory_space<hbm>>
        tpu.enqueue_dma source(%dma_start3A_493 : memref<80xi32, #tpu.memory_space<hbm>>) target(%arg8 : memref<80xi32, #tpu.memory_space<vmem>>) target_semaphore(%arg25 : memref<!tpu.dma_semaphore, #tpu.memory_space<semaphore_mem>>)
      } else {
      }
      %mul3A_458 = arith.constant 4 : i32
      %mul3A_459 = arith.muli %scan3A_371, %mul3A_458 : i32
      %add3A_460 = arith.constant 3 : i32
      %add3A_461 = arith.addi %mul3A_459, %add3A_460 : i32
      %dma_wait3A_462 = arith.constant 0 : i32
      %dma_wait3A_463 = arith.constant 0 : i32
      %dma_wait3A_464 = tpu.memref_slice %arg2[%dma_wait3A_462, %dma_wait3A_463] : memref<320000x128xf32, #tpu.memory_space<hbm>> -> memref<320000x128xf32, #tpu.memory_space<hbm>>
      tpu.wait_indirect_dma semaphore(%arg30 : memref<!tpu.dma_semaphore, #tpu.memory_space<semaphore_mem>>) src(%dma_wait3A_464 : memref<320000x128xf32, #tpu.memory_space<hbm>>) dst(%arg21 : memref<80x128xf32, #tpu.memory_space<vmem>>)
      %dma_start3A_465 = arith.constant 0 : i32
      %dma_start3A_466 = arith.constant 0 : i32
      %dma_start3A_467 = tpu.memref_slice %arg22[%dma_start3A_465, %dma_start3A_466] : memref<10000x128xf32, #tpu.memory_space<vmem_shared>> -> memref<10000x128xf32, #tpu.memory_space<vmem_shared>>
      tpu.enqueue_indirect_dma source(%arg21 : memref<80x128xf32, #tpu.memory_space<vmem>>) target(%dma_start3A_467 : memref<10000x128xf32, #tpu.memory_space<vmem_shared>>) offsets(%arg17 : memref<80xi32, #tpu.memory_space<vmem>>) semaphore(%arg34 : memref<!tpu.dma_semaphore, #tpu.memory_space<semaphore_mem>>) {add = true}
      %ge3A_468 = arith.constant 2 : i32
      %ge3A_469 = arith.cmpi sge, %add3A_461, %ge3A_468 : i32
      %convert_element_type3A_470 = arith.extui %ge3A_469 : i1 to i32
      %cond3A_471 = arith.constant 0 : i32
      %cond3A_472 = arith.cmpi ne, %convert_element_type3A_470, %cond3A_471 : i32
      scf.if %cond3A_472 {
        %sub3A = arith.constant 2 : i32
        %sub3A_487 = arith.subi %add3A_461, %sub3A : i32
        %dma_wait3A_488 = arith.constant 0 : i32
        %dma_wait3A_489 = arith.constant 0 : i32
        %dma_wait3A_490 = tpu.memref_slice %arg22[%dma_wait3A_488, %dma_wait3A_489] : memref<10000x128xf32, #tpu.memory_space<vmem_shared>> -> memref<10000x128xf32, #tpu.memory_space<vmem_shared>>
        tpu.wait_indirect_dma semaphore(%arg32 : memref<!tpu.dma_semaphore, #tpu.memory_space<semaphore_mem>>) src(%arg19 : memref<80x128xf32, #tpu.memory_space<vmem>>) dst(%dma_wait3A_490 : memref<10000x128xf32, #tpu.memory_space<vmem_shared>>)
      } else {
      }
      %add3A_473 = arith.constant 2 : i32
      %add3A_474 = arith.addi %add3A_461, %add3A_473 : i32
      %lt3A_475 = arith.constant 125 : i32
      %lt3A_476 = arith.cmpi slt, %add3A_474, %lt3A_475 : i32
      %convert_element_type3A_477 = arith.extui %lt3A_476 : i1 to i32
      %cond3A_478 = arith.constant 0 : i32
      %cond3A_479 = arith.cmpi ne, %convert_element_type3A_477, %cond3A_478 : i32
      scf.if %cond3A_479 {
        %add3A_487 = arith.constant 2 : i32
        %add3A_488 = arith.addi %add3A_461, %add3A_487 : i32
        %mul3A_489 = arith.constant 80 : i32
        %mul3A_490 = arith.muli %add3A_488, %mul3A_489 : i32
        %add3A_491 = arith.addi %multiple_of3A, %mul3A_490 : i32
        %dma_wait3A_492 = tpu.memref_slice %arg3[%add3A_491] : memref<160000xi32, #tpu.memory_space<hbm>> -> memref<80xi32, #tpu.memory_space<hbm>>
        %dma_wait3A_493 = tpu.memref_slice %arg3[%add3A_491] : memref<160000xi32, #tpu.memory_space<hbm>> -> memref<80xi32, #tpu.memory_space<hbm>>
        tpu.wait_dma2 semaphore(%arg24 : memref<!tpu.dma_semaphore, #tpu.memory_space<semaphore_mem>>) src(%dma_wait3A_493 : memref<80xi32, #tpu.memory_space<hbm>>) dst(%arg7 : memref<80xi32, #tpu.memory_space<vmem>>)
        %get3A_494 = arith.constant 0 : index
        %get3A_495 = tpu.vector_load %arg7[%get3A_494] {strides = array<i32>} : memref<80xi32, #tpu.memory_space<vmem>>, vector<16xi32>,
        %get3A_496 = vector.shape_cast %get3A_495 : vector<16xi32> to vector<16xi32>
        %and3A_497 = arith.constant 16383 : i32
        %and3A_498 = vector.broadcast %and3A_497 : i32 to vector<16xi32>
        %and3A_499 = arith.andi %get3A_496, %and3A_498 : vector<16xi32>
        %shift_right_logical3A_500 = arith.constant 14 : i32
        %shift_right_logical3A_501 = vector.broadcast %shift_right_logical3A_500 : i32 to vector<16xi32>
        %shift_right_logical3A_502 = arith.shrui %get3A_496, %shift_right_logical3A_501 : vector<16xi32>
        %and3A_503 = arith.constant 16383 : i32
        %and3A_504 = vector.broadcast %and3A_503 : i32 to vector<16xi32>
        %and3A_505 = arith.andi %shift_right_logical3A_502, %and3A_504 : vector<16xi32>
        %shift_right_logical3A_506 = arith.constant 28 : i32
        %shift_right_logical3A_507 = vector.broadcast %shift_right_logical3A_506 : i32 to vector<16xi32>
        %shift_right_logical3A_508 = arith.shrui %get3A_496, %shift_right_logical3A_507 : vector<16xi32>
        %mul3A_509 = arith.constant 2 : i32
        %mul3A_510 = vector.broadcast %mul3A_509 : i32 to vector<16xi32>
        %mul3A_511 = arith.muli %shift_right_logical3A_508, %mul3A_510 : vector<16xi32>
        %add3A_512 = vector.broadcast %arg0 : i32 to vector<16xi32>
        %add3A_513 = arith.addi %mul3A_511, %add3A_512 : vector<16xi32>
        %mul3A_514 = arith.constant 10000 : i32
        %mul3A_515 = vector.broadcast %mul3A_514 : i32 to vector<16xi32>
        %mul3A_516 = arith.muli %add3A_513, %mul3A_515 : vector<16xi32>
        %add3A_517 = arith.addi %mul3A_516, %and3A_499 : vector<16xi32>
        %swap3A_518 = arith.constant 0 : index
        %swap3A_519 = tpu.vector_load %arg11[%swap3A_518] {strides = array<i32>} : memref<80xi32, #tpu.memory_space<vmem>>, vector<16xi32>,
        %swap3A_520 = vector.shape_cast %swap3A_519 : vector<16xi32> to vector<16xi32>
        %swap3A_521 = vector.shape_cast %add3A_517 : vector<16xi32> to vector<16xi32>
        tpu.vector_store %arg11[%swap3A_518], %swap3A_521 {strides = array<i32>} : memref<80xi32, #tpu.memory_space<vmem>>, vector<16xi32>,
        %swap3A_522 = arith.constant 0 : index
        %swap3A_523 = tpu.vector_load %arg15[%swap3A_522] {strides = array<i32>} : memref<80xi32, #tpu.memory_space<vmem>>, vector<16xi32>,
        %swap3A_524 = vector.shape_cast %swap3A_523 : vector<16xi32> to vector<16xi32>
        %swap3A_525 = vector.shape_cast %and3A_505 : vector<16xi32> to vector<16xi32>
        tpu.vector_store %arg15[%swap3A_522], %swap3A_525 {strides = array<i32>} : memref<80xi32, #tpu.memory_space<vmem>>, vector<16xi32>,
        %get3A_526 = arith.constant 16 : index
        %get3A_527 = tpu.vector_load %arg7[%get3A_526] {strides = array<i32>} : memref<80xi32, #tpu.memory_space<vmem>>, vector<16xi32>,
        %get3A_528 = vector.shape_cast %get3A_527 : vector<16xi32> to vector<16xi32>
        %and3A_529 = arith.constant 16383 : i32
        %and3A_530 = vector.broadcast %and3A_529 : i32 to vector<16xi32>
        %and3A_531 = arith.andi %get3A_528, %and3A_530 : vector<16xi32>
        %shift_right_logical3A_532 = arith.constant 14 : i32
        %shift_right_logical3A_533 = vector.broadcast %shift_right_logical3A_532 : i32 to vector<16xi32>
        %shift_right_logical3A_534 = arith.shrui %get3A_528, %shift_right_logical3A_533 : vector<16xi32>
        %and3A_535 = arith.constant 16383 : i32
        %and3A_536 = vector.broadcast %and3A_535 : i32 to vector<16xi32>
        %and3A_537 = arith.andi %shift_right_logical3A_534, %and3A_536 : vector<16xi32>
        %shift_right_logical3A_538 = arith.constant 28 : i32
        %shift_right_logical3A_539 = vector.broadcast %shift_right_logical3A_538 : i32 to vector<16xi32>
        %shift_right_logical3A_540 = arith.shrui %get3A_528, %shift_right_logical3A_539 : vector<16xi32>
        %mul3A_541 = arith.constant 2 : i32
        %mul3A_542 = vector.broadcast %mul3A_541 : i32 to vector<16xi32>
        %mul3A_543 = arith.muli %shift_right_logical3A_540, %mul3A_542 : vector<16xi32>
        %add3A_544 = vector.broadcast %arg0 : i32 to vector<16xi32>
        %add3A_545 = arith.addi %mul3A_543, %add3A_544 : vector<16xi32>
        %mul3A_546 = arith.constant 10000 : i32
        %mul3A_547 = vector.broadcast %mul3A_546 : i32 to vector<16xi32>
        %mul3A_548 = arith.muli %add3A_545, %mul3A_547 : vector<16xi32>
        %add3A_549 = arith.addi %mul3A_548, %and3A_531 : vector<16xi32>
        %swap3A_550 = arith.constant 16 : index
        %swap3A_551 = tpu.vector_load %arg11[%swap3A_550] {strides = array<i32>} : memref<80xi32, #tpu.memory_space<vmem>>, vector<16xi32>,
        %swap3A_552 = vector.shape_cast %swap3A_551 : vector<16xi32> to vector<16xi32>
        %swap3A_553 = vector.shape_cast %add3A_549 : vector<16xi32> to vector<16xi32>
        tpu.vector_store %arg11[%swap3A_550], %swap3A_553 {strides = array<i32>} : memref<80xi32, #tpu.memory_space<vmem>>, vector<16xi32>,
        %swap3A_554 = arith.constant 16 : index
        %swap3A_555 = tpu.vector_load %arg15[%swap3A_554] {strides = array<i32>} : memref<80xi32, #tpu.memory_space<vmem>>, vector<16xi32>,
        %swap3A_556 = vector.shape_cast %swap3A_555 : vector<16xi32> to vector<16xi32>
        %swap3A_557 = vector.shape_cast %and3A_537 : vector<16xi32> to vector<16xi32>
        tpu.vector_store %arg15[%swap3A_554], %swap3A_557 {strides = array<i32>} : memref<80xi32, #tpu.memory_space<vmem>>, vector<16xi32>,
        %get3A_558 = arith.constant 32 : index
        %get3A_559 = tpu.vector_load %arg7[%get3A_558] {strides = array<i32>} : memref<80xi32, #tpu.memory_space<vmem>>, vector<16xi32>,
        %get3A_560 = vector.shape_cast %get3A_559 : vector<16xi32> to vector<16xi32>
        %and3A_561 = arith.constant 16383 : i32
        %and3A_562 = vector.broadcast %and3A_561 : i32 to vector<16xi32>
        %and3A_563 = arith.andi %get3A_560, %and3A_562 : vector<16xi32>
        %shift_right_logical3A_564 = arith.constant 14 : i32
        %shift_right_logical3A_565 = vector.broadcast %shift_right_logical3A_564 : i32 to vector<16xi32>
        %shift_right_logical3A_566 = arith.shrui %get3A_560, %shift_right_logical3A_565 : vector<16xi32>
        %and3A_567 = arith.constant 16383 : i32
        %and3A_568 = vector.broadcast %and3A_567 : i32 to vector<16xi32>
        %and3A_569 = arith.andi %shift_right_logical3A_566, %and3A_568 : vector<16xi32>
        %shift_right_logical3A_570 = arith.constant 28 : i32
        %shift_right_logical3A_571 = vector.broadcast %shift_right_logical3A_570 : i32 to vector<16xi32>
        %shift_right_logical3A_572 = arith.shrui %get3A_560, %shift_right_logical3A_571 : vector<16xi32>
        %mul3A_573 = arith.constant 2 : i32
        %mul3A_574 = vector.broadcast %mul3A_573 : i32 to vector<16xi32>
        %mul3A_575 = arith.muli %shift_right_logical3A_572, %mul3A_574 : vector<16xi32>
        %add3A_576 = vector.broadcast %arg0 : i32 to vector<16xi32>
        %add3A_577 = arith.addi %mul3A_575, %add3A_576 : vector<16xi32>
        %mul3A_578 = arith.constant 10000 : i32
        %mul3A_579 = vector.broadcast %mul3A_578 : i32 to vector<16xi32>
        %mul3A_580 = arith.muli %add3A_577, %mul3A_579 : vector<16xi32>
        %add3A_581 = arith.addi %mul3A_580, %and3A_563 : vector<16xi32>
        %swap3A_582 = arith.constant 32 : index
        %swap3A_583 = tpu.vector_load %arg11[%swap3A_582] {strides = array<i32>} : memref<80xi32, #tpu.memory_space<vmem>>, vector<16xi32>,
        %swap3A_584 = vector.shape_cast %swap3A_583 : vector<16xi32> to vector<16xi32>
        %swap3A_585 = vector.shape_cast %add3A_581 : vector<16xi32> to vector<16xi32>
        tpu.vector_store %arg11[%swap3A_582], %swap3A_585 {strides = array<i32>} : memref<80xi32, #tpu.memory_space<vmem>>, vector<16xi32>,
        %swap3A_586 = arith.constant 32 : index
        %swap3A_587 = tpu.vector_load %arg15[%swap3A_586] {strides = array<i32>} : memref<80xi32, #tpu.memory_space<vmem>>, vector<16xi32>,
        %swap3A_588 = vector.shape_cast %swap3A_587 : vector<16xi32> to vector<16xi32>
        %swap3A_589 = vector.shape_cast %and3A_569 : vector<16xi32> to vector<16xi32>
        tpu.vector_store %arg15[%swap3A_586], %swap3A_589 {strides = array<i32>} : memref<80xi32, #tpu.memory_space<vmem>>, vector<16xi32>,
        %get3A_590 = arith.constant 48 : index
        %get3A_591 = tpu.vector_load %arg7[%get3A_590] {strides = array<i32>} : memref<80xi32, #tpu.memory_space<vmem>>, vector<16xi32>,
        %get3A_592 = vector.shape_cast %get3A_591 : vector<16xi32> to vector<16xi32>
        %and3A_593 = arith.constant 16383 : i32
        %and3A_594 = vector.broadcast %and3A_593 : i32 to vector<16xi32>
        %and3A_595 = arith.andi %get3A_592, %and3A_594 : vector<16xi32>
        %shift_right_logical3A_596 = arith.constant 14 : i32
        %shift_right_logical3A_597 = vector.broadcast %shift_right_logical3A_596 : i32 to vector<16xi32>
        %shift_right_logical3A_598 = arith.shrui %get3A_592, %shift_right_logical3A_597 : vector<16xi32>
        %and3A_599 = arith.constant 16383 : i32
        %and3A_600 = vector.broadcast %and3A_599 : i32 to vector<16xi32>
        %and3A_601 = arith.andi %shift_right_logical3A_598, %and3A_600 : vector<16xi32>
        %shift_right_logical3A_602 = arith.constant 28 : i32
        %shift_right_logical3A_603 = vector.broadcast %shift_right_logical3A_602 : i32 to vector<16xi32>
        %shift_right_logical3A_604 = arith.shrui %get3A_592, %shift_right_logical3A_603 : vector<16xi32>
        %mul3A_605 = arith.constant 2 : i32
        %mul3A_606 = vector.broadcast %mul3A_605 : i32 to vector<16xi32>
        %mul3A_607 = arith.muli %shift_right_logical3A_604, %mul3A_606 : vector<16xi32>
        %add3A_608 = vector.broadcast %arg0 : i32 to vector<16xi32>
        %add3A_609 = arith.addi %mul3A_607, %add3A_608 : vector<16xi32>
        %mul3A_610 = arith.constant 10000 : i32
        %mul3A_611 = vector.broadcast %mul3A_610 : i32 to vector<16xi32>
        %mul3A_612 = arith.muli %add3A_609, %mul3A_611 : vector<16xi32>
        %add3A_613 = arith.addi %mul3A_612, %and3A_595 : vector<16xi32>
        %swap3A_614 = arith.constant 48 : index
        %swap3A_615 = tpu.vector_load %arg11[%swap3A_614] {strides = array<i32>} : memref<80xi32, #tpu.memory_space<vmem>>, vector<16xi32>,
        %swap3A_616 = vector.shape_cast %swap3A_615 : vector<16xi32> to vector<16xi32>
        %swap3A_617 = vector.shape_cast %add3A_613 : vector<16xi32> to vector<16xi32>
        tpu.vector_store %arg11[%swap3A_614], %swap3A_617 {strides = array<i32>} : memref<80xi32, #tpu.memory_space<vmem>>, vector<16xi32>,
        %swap3A_618 = arith.constant 48 : index
        %swap3A_619 = tpu.vector_load %arg15[%swap3A_618] {strides = array<i32>} : memref<80xi32, #tpu.memory_space<vmem>>, vector<16xi32>,
        %swap3A_620 = vector.shape_cast %swap3A_619 : vector<16xi32> to vector<16xi32>
        %swap3A_621 = vector.shape_cast %and3A_601 : vector<16xi32> to vector<16xi32>
        tpu.vector_store %arg15[%swap3A_618], %swap3A_621 {strides = array<i32>} : memref<80xi32, #tpu.memory_space<vmem>>, vector<16xi32>,
        %get3A_622 = arith.constant 64 : index
        %get3A_623 = tpu.vector_load %arg7[%get3A_622] {strides = array<i32>} : memref<80xi32, #tpu.memory_space<vmem>>, vector<16xi32>,
        %get3A_624 = vector.shape_cast %get3A_623 : vector<16xi32> to vector<16xi32>
        %and3A_625 = arith.constant 16383 : i32
        %and3A_626 = vector.broadcast %and3A_625 : i32 to vector<16xi32>
        %and3A_627 = arith.andi %get3A_624, %and3A_626 : vector<16xi32>
        %shift_right_logical3A_628 = arith.constant 14 : i32
        %shift_right_logical3A_629 = vector.broadcast %shift_right_logical3A_628 : i32 to vector<16xi32>
        %shift_right_logical3A_630 = arith.shrui %get3A_624, %shift_right_logical3A_629 : vector<16xi32>
        %and3A_631 = arith.constant 16383 : i32
        %and3A_632 = vector.broadcast %and3A_631 : i32 to vector<16xi32>
        %and3A_633 = arith.andi %shift_right_logical3A_630, %and3A_632 : vector<16xi32>
        %shift_right_logical3A_634 = arith.constant 28 : i32
        %shift_right_logical3A_635 = vector.broadcast %shift_right_logical3A_634 : i32 to vector<16xi32>
        %shift_right_logical3A_636 = arith.shrui %get3A_624, %shift_right_logical3A_635 : vector<16xi32>
        %mul3A_637 = arith.constant 2 : i32
        %mul3A_638 = vector.broadcast %mul3A_637 : i32 to vector<16xi32>
        %mul3A_639 = arith.muli %shift_right_logical3A_636, %mul3A_638 : vector<16xi32>
        %add3A_640 = vector.broadcast %arg0 : i32 to vector<16xi32>
        %add3A_641 = arith.addi %mul3A_639, %add3A_640 : vector<16xi32>
        %mul3A_642 = arith.constant 10000 : i32
        %mul3A_643 = vector.broadcast %mul3A_642 : i32 to vector<16xi32>
        %mul3A_644 = arith.muli %add3A_641, %mul3A_643 : vector<16xi32>
        %add3A_645 = arith.addi %mul3A_644, %and3A_627 : vector<16xi32>
        %swap3A_646 = arith.constant 64 : index
        %swap3A_647 = tpu.vector_load %arg11[%swap3A_646] {strides = array<i32>} : memref<80xi32, #tpu.memory_space<vmem>>, vector<16xi32>,
        %swap3A_648 = vector.shape_cast %swap3A_647 : vector<16xi32> to vector<16xi32>
        %swap3A_649 = vector.shape_cast %add3A_645 : vector<16xi32> to vector<16xi32>
        tpu.vector_store %arg11[%swap3A_646], %swap3A_649 {strides = array<i32>} : memref<80xi32, #tpu.memory_space<vmem>>, vector<16xi32>,
        %swap3A_650 = arith.constant 64 : index
        %swap3A_651 = tpu.vector_load %arg15[%swap3A_650] {strides = array<i32>} : memref<80xi32, #tpu.memory_space<vmem>>, vector<16xi32>,
        %swap3A_652 = vector.shape_cast %swap3A_651 : vector<16xi32> to vector<16xi32>
        %swap3A_653 = vector.shape_cast %and3A_633 : vector<16xi32> to vector<16xi32>
        tpu.vector_store %arg15[%swap3A_650], %swap3A_653 {strides = array<i32>} : memref<80xi32, #tpu.memory_space<vmem>>, vector<16xi32>,
        %add3A_654 = arith.constant 2 : i32
        %add3A_655 = arith.addi %add3A_461, %add3A_654 : i32
        %dma_start3A_656 = arith.constant 0 : i32
        %dma_start3A_657 = arith.constant 0 : i32
        %dma_start3A_658 = tpu.memref_slice %arg2[%dma_start3A_656, %dma_start3A_657] : memref<320000x128xf32, #tpu.memory_space<hbm>> -> memref<320000x128xf32, #tpu.memory_space<hbm>>
        tpu.enqueue_indirect_dma source(%dma_start3A_658 : memref<320000x128xf32, #tpu.memory_space<hbm>>) target(%arg19 : memref<80x128xf32, #tpu.memory_space<vmem>>) offsets(%arg11 : memref<80xi32, #tpu.memory_space<vmem>>) semaphore(%arg28 : memref<!tpu.dma_semaphore, #tpu.memory_space<semaphore_mem>>)
      } else {
      }
      %add3A_480 = arith.constant 4 : i32
      %add3A_481 = arith.addi %add3A_461, %add3A_480 : i32
      %lt3A_482 = arith.constant 125 : i32
      %lt3A_483 = arith.cmpi slt, %add3A_481, %lt3A_482 : i32
      %convert_element_type3A_484 = arith.extui %lt3A_483 : i1 to i32
      %cond3A_485 = arith.constant 0 : i32
      %cond3A_486 = arith.cmpi ne, %convert_element_type3A_484, %cond3A_485 : i32
      scf.if %cond3A_486 {
        %add3A_487 = arith.constant 4 : i32
        %add3A_488 = arith.addi %add3A_461, %add3A_487 : i32
        %mul3A_489 = arith.constant 80 : i32
        %mul3A_490 = arith.muli %add3A_488, %mul3A_489 : i32
        %add3A_491 = arith.addi %multiple_of3A, %mul3A_490 : i32
        %dma_start3A_492 = tpu.memref_slice %arg3[%add3A_491] : memref<160000xi32, #tpu.memory_space<hbm>> -> memref<80xi32, #tpu.memory_space<hbm>>
        %dma_start3A_493 = tpu.memref_slice %arg3[%add3A_491] : memref<160000xi32, #tpu.memory_space<hbm>> -> memref<80xi32, #tpu.memory_space<hbm>>
        tpu.enqueue_dma source(%dma_start3A_493 : memref<80xi32, #tpu.memory_space<hbm>>) target(%arg9 : memref<80xi32, #tpu.memory_space<vmem>>) target_semaphore(%arg26 : memref<!tpu.dma_semaphore, #tpu.memory_space<semaphore_mem>>)
      } else {
      }
    }
    %scan3A_349 = arith.constant 31 : i32
    %dma_wait3A_350 = arith.constant 0 : i32
    %dma_wait3A_351 = arith.constant 0 : i32
    %dma_wait3A_352 = tpu.memref_slice %arg2[%dma_wait3A_350, %dma_wait3A_351] : memref<320000x128xf32, #tpu.memory_space<hbm>> -> memref<320000x128xf32, #tpu.memory_space<hbm>>
    tpu.wait_indirect_dma semaphore(%arg27 : memref<!tpu.dma_semaphore, #tpu.memory_space<semaphore_mem>>) src(%dma_wait3A_352 : memref<320000x128xf32, #tpu.memory_space<hbm>>) dst(%arg18 : memref<80x128xf32, #tpu.memory_space<vmem>>)
    %dma_start3A_353 = arith.constant 0 : i32
    %dma_start3A_354 = arith.constant 0 : i32
    %dma_start3A_355 = tpu.memref_slice %arg22[%dma_start3A_353, %dma_start3A_354] : memref<10000x128xf32, #tpu.memory_space<vmem_shared>> -> memref<10000x128xf32, #tpu.memory_space<vmem_shared>>
    tpu.enqueue_indirect_dma source(%arg18 : memref<80x128xf32, #tpu.memory_space<vmem>>) target(%dma_start3A_355 : memref<10000x128xf32, #tpu.memory_space<vmem_shared>>) offsets(%arg14 : memref<80xi32, #tpu.memory_space<vmem>>) semaphore(%arg31 : memref<!tpu.dma_semaphore, #tpu.memory_space<semaphore_mem>>) {add = true}
    %dma_wait3A_356 = arith.constant 0 : i32
    %dma_wait3A_357 = arith.constant 0 : i32
    %dma_wait3A_358 = tpu.memref_slice %arg22[%dma_wait3A_356, %dma_wait3A_357] : memref<10000x128xf32, #tpu.memory_space<vmem_shared>> -> memref<10000x128xf32, #tpu.memory_space<vmem_shared>>
    tpu.wait_indirect_dma semaphore(%arg33 : memref<!tpu.dma_semaphore, #tpu.memory_space<semaphore_mem>>) src(%arg20 : memref<80x128xf32, #tpu.memory_space<vmem>>) dst(%dma_wait3A_358 : memref<10000x128xf32, #tpu.memory_space<vmem_shared>>)
    %dma_wait3A_359 = arith.constant 0 : i32
    %dma_wait3A_360 = arith.constant 0 : i32
    %dma_wait3A_361 = tpu.memref_slice %arg22[%dma_wait3A_359, %dma_wait3A_360] : memref<10000x128xf32, #tpu.memory_space<vmem_shared>> -> memref<10000x128xf32, #tpu.memory_space<vmem_shared>>
    tpu.wait_indirect_dma semaphore(%arg34 : memref<!tpu.dma_semaphore, #tpu.memory_space<semaphore_mem>>) src(%arg21 : memref<80x128xf32, #tpu.memory_space<vmem>>) dst(%dma_wait3A_361 : memref<10000x128xf32, #tpu.memory_space<vmem_shared>>)
    %dma_wait3A_362 = arith.constant 0 : i32
    %dma_wait3A_363 = arith.constant 0 : i32
    %dma_wait3A_364 = tpu.memref_slice %arg22[%dma_wait3A_362, %dma_wait3A_363] : memref<10000x128xf32, #tpu.memory_space<vmem_shared>> -> memref<10000x128xf32, #tpu.memory_space<vmem_shared>>
    tpu.wait_indirect_dma semaphore(%arg31 : memref<!tpu.dma_semaphore, #tpu.memory_space<semaphore_mem>>) src(%arg18 : memref<80x128xf32, #tpu.memory_space<vmem>>) dst(%dma_wait3A_364 : memref<10000x128xf32, #tpu.memory_space<vmem_shared>>)
    %barrier3A_365 = arith.constant 0 : index
    tpu.barrier barrier_id(%barrier3A_365)
    %lt3A_366 = arith.constant 10 : i32
    %lt3A_367 = arith.cmpi slt, %arg1, %lt3A_366 : i32
    %convert_element_type3A_368 = arith.extui %lt3A_367 : i1 to i32
    %cond3A_369 = arith.constant 0 : i32
    %cond3A_370 = arith.cmpi ne, %convert_element_type3A_368, %cond3A_369 : i32
    scf.if %cond3A_370 {
      %mul3A_371 = arith.constant 1000 : i32
      %mul3A_372 = arith.muli %arg1, %mul3A_371 : i32
      %mul3A_373 = arith.constant 128 : i32
      %mul3A_374 = arith.muli %arg0, %mul3A_373 : i32
      "tpu.region"() ({
        %run_scoped3A = tpu.sem_alloc : memref<!tpu.dma_semaphore, #tpu.memory_space<semaphore_mem>>
        %dma_start3A_375 = tpu.memref_slice %arg5[%mul3A_372, %mul3A_374] : memref<10000x256xf32, #tpu.memory_space<hbm>> -> memref<1000x128xf32, #tpu.memory_space<hbm>>
        %dma_start3A_376 = arith.constant 0 : i32
        %dma_start3A_377 = tpu.memref_slice %arg22[%mul3A_372, %dma_start3A_376] : memref<10000x128xf32, #tpu.memory_space<vmem_shared>> -> memref<1000x128xf32, #tpu.memory_space<vmem_shared>>
        tpu.enqueue_dma source(%dma_start3A_377 : memref<1000x128xf32, #tpu.memory_space<vmem_shared>>) target(%dma_start3A_375 : memref<1000x128xf32, #tpu.memory_space<hbm>>) target_semaphore(%run_scoped3A : memref<!tpu.dma_semaphore, #tpu.memory_space<semaphore_mem>>)
        %dma_wait3A_378 = tpu.memref_slice %arg5[%mul3A_372, %mul3A_374] : memref<10000x256xf32, #tpu.memory_space<hbm>> -> memref<1000x128xf32, #tpu.memory_space<hbm>>
        %dma_wait3A_379 = arith.constant 0 : i32
        %dma_wait3A_380 = tpu.memref_slice %arg22[%mul3A_372, %dma_wait3A_379] : memref<10000x128xf32, #tpu.memory_space<vmem_shared>> -> memref<1000x128xf32, #tpu.memory_space<vmem_shared>>
        tpu.wait_dma2 semaphore(%run_scoped3A : memref<!tpu.dma_semaphore, #tpu.memory_space<semaphore_mem>>) src(%dma_wait3A_380 : memref<1000x128xf32, #tpu.memory_space<vmem_shared>>) dst(%dma_wait3A_378 : memref<1000x128xf32, #tpu.memory_space<hbm>>)
        tpu.yield
      }) : () -> ()
    } else {
    }
    return
  }
}

module attributes {stable_mosaic.version = 14 : i64} {
  func.func @_table_kernel(%arg0: i32, %arg1: i32, %arg2: memref<16x4xf32, #tpu.memory_space<smem>>, %arg3: memref<2000x256xf32, #tpu.memory_space<vmem>>, %arg4: memref<4x256x256xf32, #tpu.memory_space<vmem>>, %arg5: memref<256x256xf32, #tpu.memory_space<vmem>>, %arg6: memref<2x1250x128xi32, #tpu.memory_space<vmem>>, %arg7: memref<1250x128xi32, #tpu.memory_space<vmem>>, %arg8: memref<2x2000x128xf32, #tpu.memory_space<vmem>>, %arg9: memref<2x2000x128xf32, #tpu.memory_space<vmem>>, %arg10: memref<1250x128xi32, #tpu.memory_space<vmem>>, %arg11: memref<16x256x256xbf16, #tpu.memory_space<vmem>>, %arg12: memref<2000x256xbf16, #tpu.memory_space<vmem>>) attributes {dimension_semantics = [#tpu.dimension_semantics<arbitrary>, #tpu.dimension_semantics<arbitrary>], iteration_bounds = array<i64: 5, 16>, scalar_prefetch = 0 : i64, scratch_operands = 2 : i64, tpu.core_type = #tpu.core_type<tc>, window_params = [{transform_indices = @transform_0, window_bounds = array<i64: 16, 4>}, {transform_indices = @transform_1, window_bounds = array<i64: 2000, 256>}, {pipeline_mode = #tpu.pipeline_mode<synchronous>, transform_indices = @transform_2, window_bounds = array<i64: 4, 256, 256>}, {pipeline_mode = #tpu.pipeline_mode<synchronous>, transform_indices = @transform_3, window_bounds = array<i64: 256, 256>}, {pipeline_mode = #tpu.pipeline_mode<synchronous>, transform_indices = @transform_4, window_bounds = array<i64: 2, 1250, 128>}, {pipeline_mode = #tpu.pipeline_mode<synchronous>, transform_indices = @transform_5, window_bounds = array<i64: 1250, 128>}, {transform_indices = @transform_6, window_bounds = array<i64: 2, 2000, 128>}, {transform_indices = @transform_7, window_bounds = array<i64: 2, 2000, 128>}, {pipeline_mode = #tpu.pipeline_mode<synchronous>, transform_indices = @transform_8, window_bounds = array<i64: 1250, 128>}]} {
    %eq3A = arith.constant 0 : i32
    %eq3A_0 = arith.cmpi eq, %arg0, %eq3A : i32
    %convert_element_type3A = arith.extui %eq3A_0 : i1 to i32
    %cond3A = arith.constant 0 : i32
    %cond3A_1 = arith.cmpi ne, %convert_element_type3A, %cond3A : i32
    scf.if %cond3A_1 {
      %get3A_39 = arith.index_cast %arg1 : i32 to index
      %get3A_40 = arith.constant 0 : index
      %get3A_41 = memref.load %arg2[%get3A_39, %get3A_40] : memref<16x4xf32, #tpu.memory_space<smem>>
      %get3A_42 = arith.constant 0 : index
      %get3A_43 = arith.constant 0 : index
      %get3A_44 = arith.constant 0 : index
      %get3A_45 = vector.load %arg4[%get3A_42, %get3A_43, %get3A_44] : memref<4x256x256xf32, #tpu.memory_space<vmem>>, vector<1x256x256xf32>
      %get3A_46 = vector.shape_cast %get3A_45 : vector<1x256x256xf32> to vector<256x256xf32>
      %mul3A = vector.broadcast %get3A_41 : f32 to vector<256x256xf32>
      %mul3A_47 = arith.mulf %mul3A, %get3A_46 : vector<256x256xf32>
      %get3A_48 = arith.index_cast %arg1 : i32 to index
      %get3A_49 = arith.constant 1 : index
      %get3A_50 = memref.load %arg2[%get3A_48, %get3A_49] : memref<16x4xf32, #tpu.memory_space<smem>>
      %get3A_51 = arith.constant 1 : index
      %get3A_52 = arith.constant 0 : index
      %get3A_53 = arith.constant 0 : index
      %get3A_54 = vector.load %arg4[%get3A_51, %get3A_52, %get3A_53] : memref<4x256x256xf32, #tpu.memory_space<vmem>>, vector<1x256x256xf32>
      %get3A_55 = vector.shape_cast %get3A_54 : vector<1x256x256xf32> to vector<256x256xf32>
      %mul3A_56 = vector.broadcast %get3A_50 : f32 to vector<256x256xf32>
      %mul3A_57 = arith.mulf %mul3A_56, %get3A_55 : vector<256x256xf32>
      %add3A = arith.addf %mul3A_47, %mul3A_57 : vector<256x256xf32>
      %get3A_58 = arith.index_cast %arg1 : i32 to index
      %get3A_59 = arith.constant 2 : index
      %get3A_60 = memref.load %arg2[%get3A_58, %get3A_59] : memref<16x4xf32, #tpu.memory_space<smem>>
      %get3A_61 = arith.constant 2 : index
      %get3A_62 = arith.constant 0 : index
      %get3A_63 = arith.constant 0 : index
      %get3A_64 = vector.load %arg4[%get3A_61, %get3A_62, %get3A_63] : memref<4x256x256xf32, #tpu.memory_space<vmem>>, vector<1x256x256xf32>
      %get3A_65 = vector.shape_cast %get3A_64 : vector<1x256x256xf32> to vector<256x256xf32>
      %mul3A_66 = vector.broadcast %get3A_60 : f32 to vector<256x256xf32>
      %mul3A_67 = arith.mulf %mul3A_66, %get3A_65 : vector<256x256xf32>
      %add3A_68 = arith.addf %add3A, %mul3A_67 : vector<256x256xf32>
      %get3A_69 = arith.index_cast %arg1 : i32 to index
      %get3A_70 = arith.constant 3 : index
      %get3A_71 = memref.load %arg2[%get3A_69, %get3A_70] : memref<16x4xf32, #tpu.memory_space<smem>>
      %get3A_72 = arith.constant 3 : index
      %get3A_73 = arith.constant 0 : index
      %get3A_74 = arith.constant 0 : index
      %get3A_75 = vector.load %arg4[%get3A_72, %get3A_73, %get3A_74] : memref<4x256x256xf32, #tpu.memory_space<vmem>>, vector<1x256x256xf32>
      %get3A_76 = vector.shape_cast %get3A_75 : vector<1x256x256xf32> to vector<256x256xf32>
      %mul3A_77 = vector.broadcast %get3A_71 : f32 to vector<256x256xf32>
      %mul3A_78 = arith.mulf %mul3A_77, %get3A_76 : vector<256x256xf32>
      %add3A_79 = arith.addf %add3A_68, %mul3A_78 : vector<256x256xf32>
      %convert_element_type3A_80 = arith.truncf %add3A_79 : vector<256x256xf32> to vector<256x256xbf16>
      %swap3A_81 = arith.index_cast %arg1 : i32 to index
      %swap3A_82 = arith.constant 0 : index
      %swap3A_83 = arith.constant 0 : index
      %swap3A_84 = vector.load %arg11[%swap3A_81, %swap3A_82, %swap3A_83] : memref<16x256x256xbf16, #tpu.memory_space<vmem>>, vector<1x256x256xbf16>
      %swap3A_85 = vector.shape_cast %swap3A_84 : vector<1x256x256xbf16> to vector<256x256xbf16>
      %swap3A_86 = vector.shape_cast %convert_element_type3A_80 : vector<256x256xbf16> to vector<1x256x256xbf16>
      tpu.vector_store %arg11[%swap3A_81, %swap3A_82, %swap3A_83], %swap3A_86 {strides = array<i32>} : memref<16x256x256xbf16, #tpu.memory_space<vmem>>, vector<1x256x256xbf16>,
    } else {
    }
    %eq3A_2 = arith.constant 0 : i32
    %eq3A_3 = arith.cmpi eq, %arg1, %eq3A_2 : i32
    %convert_element_type3A_4 = arith.extui %eq3A_3 : i1 to i32
    %cond3A_5 = arith.constant 0 : i32
    %cond3A_6 = arith.cmpi ne, %convert_element_type3A_4, %cond3A_5 : i32
    scf.if %cond3A_6 {
      %get3A_39 = arith.constant 0 : index
      %get3A_40 = arith.constant 0 : index
      %get3A_41 = vector.load %arg3[%get3A_39, %get3A_40] : memref<2000x256xf32, #tpu.memory_space<vmem>>, vector<2000x256xf32>
      %convert_element_type3A_42 = arith.truncf %get3A_41 : vector<2000x256xf32> to vector<2000x256xbf16>
      %swap3A_43 = arith.constant 0 : index
      %swap3A_44 = arith.constant 0 : index
      %swap3A_45 = vector.load %arg12[%swap3A_43, %swap3A_44] : memref<2000x256xbf16, #tpu.memory_space<vmem>>, vector<2000x256xbf16>
      tpu.vector_store %arg12[%swap3A_43, %swap3A_44], %convert_element_type3A_42 {strides = array<i32>} : memref<2000x256xbf16, #tpu.memory_space<vmem>>, vector<2000x256xbf16>,
    } else {
    }
    %eq3A_7 = arith.constant 0 : i32
    %eq3A_8 = arith.cmpi eq, %arg0, %eq3A_7 : i32
    %eq3A_9 = arith.constant 1 : i32
    %eq3A_10 = arith.cmpi eq, %arg1, %eq3A_9 : i32
    %and3A = arith.andi %eq3A_8, %eq3A_10 : i1
    %convert_element_type3A_11 = arith.extui %and3A : i1 to i32
    %cond3A_12 = arith.constant 0 : i32
    %cond3A_13 = arith.cmpi ne, %convert_element_type3A_11, %cond3A_12 : i32
    scf.if %cond3A_13 {
      %get3A_39 = arith.constant 0 : index
      %get3A_40 = arith.constant 0 : index
      %get3A_41 = arith.constant 0 : index
      %get3A_42 = vector.load %arg6[%get3A_39, %get3A_40, %get3A_41] : memref<2x1250x128xi32, #tpu.memory_space<vmem>>, vector<1x1250x128xi32>
      %get3A_43 = vector.shape_cast %get3A_42 : vector<1x1250x128xi32> to vector<1250x128xi32>
      %get3A_44 = arith.constant 1 : index
      %get3A_45 = arith.constant 0 : index
      %get3A_46 = arith.constant 0 : index
      %get3A_47 = vector.load %arg6[%get3A_44, %get3A_45, %get3A_46] : memref<2x1250x128xi32, #tpu.memory_space<vmem>>, vector<1x1250x128xi32>
      %get3A_48 = vector.shape_cast %get3A_47 : vector<1x1250x128xi32> to vector<1250x128xi32>
      %shift_left3A = arith.constant 14 : i32
      %shift_left3A_49 = vector.broadcast %shift_left3A : i32 to vector<1250x128xi32>
      %shift_left3A_50 = arith.shli %get3A_48, %shift_left3A_49 : vector<1250x128xi32>
      %or3A = arith.ori %get3A_43, %shift_left3A_50 : vector<1250x128xi32>
      %get3A_51 = arith.constant 0 : index
      %get3A_52 = arith.constant 0 : index
      %get3A_53 = vector.load %arg7[%get3A_51, %get3A_52] : memref<1250x128xi32, #tpu.memory_space<vmem>>, vector<1250x128xi32>
      %shift_left3A_54 = arith.constant 28 : i32
      %shift_left3A_55 = vector.broadcast %shift_left3A_54 : i32 to vector<1250x128xi32>
      %shift_left3A_56 = arith.shli %get3A_53, %shift_left3A_55 : vector<1250x128xi32>
      %or3A_57 = arith.ori %or3A, %shift_left3A_56 : vector<1250x128xi32>
      %swap3A_58 = arith.constant 0 : index
      %swap3A_59 = arith.constant 0 : index
      %swap3A_60 = vector.load %arg10[%swap3A_58, %swap3A_59] : memref<1250x128xi32, #tpu.memory_space<vmem>>, vector<1250x128xi32>
      tpu.vector_store %arg10[%swap3A_58, %swap3A_59], %or3A_57 {strides = array<i32>} : memref<1250x128xi32, #tpu.memory_space<vmem>>, vector<1250x128xi32>,
    } else {
    }
    %get3A = arith.constant 0 : index
    %get3A_14 = arith.constant 0 : index
    %get3A_15 = vector.load %arg12[%get3A, %get3A_14] : memref<2000x256xbf16, #tpu.memory_space<vmem>>, vector<2000x256xbf16>
    %get3A_16 = arith.index_cast %arg1 : i32 to index
    %get3A_17 = arith.constant 0 : index
    %get3A_18 = arith.constant 0 : index
    %get3A_19 = vector.load %arg11[%get3A_16, %get3A_17, %get3A_18] : memref<16x256x256xbf16, #tpu.memory_space<vmem>>, vector<1x256x256xbf16>
    %get3A_20 = vector.shape_cast %get3A_19 : vector<1x256x256xbf16> to vector<256x256xbf16>
    %dot_general3A = arith.constant dense<0.000000e+00> : vector<2000x256xf32>
    %dot_general3A_21 = tpu.matmul %get3A_15, %get3A_20, %dot_general3A {dimension_numbers = #tpu.dot_dimension_numbers<[1], [0], [0], [1], [0, 0, 1, 1], [], []>, transpose_lhs_hint = false} : vector<2000x256xbf16>, vector<256x256xbf16>, vector<2000x256xf32> -> vector<2000x256xf32>
    %slice3A = vector.extract_strided_slice %dot_general3A_21 {offsets = [0, 0], sizes = [2000, 128], strides = [1, 1]} : vector<2000x256xf32> to vector<2000x128xf32>
    %swap3A = arith.constant 0 : index
    %swap3A_22 = arith.constant 0 : index
    %swap3A_23 = arith.constant 0 : index
    %swap3A_24 = vector.load %arg8[%swap3A, %swap3A_22, %swap3A_23] : memref<2x2000x128xf32, #tpu.memory_space<vmem>>, vector<1x2000x128xf32>
    %swap3A_25 = vector.shape_cast %swap3A_24 : vector<1x2000x128xf32> to vector<2000x128xf32>
    %swap3A_26 = vector.shape_cast %slice3A : vector<2000x128xf32> to vector<1x2000x128xf32>
    tpu.vector_store %arg8[%swap3A, %swap3A_22, %swap3A_23], %swap3A_26 {strides = array<i32>} : memref<2x2000x128xf32, #tpu.memory_space<vmem>>, vector<1x2000x128xf32>,
    %slice3A_27 = vector.extract_strided_slice %dot_general3A_21 {offsets = [0, 128], sizes = [2000, 128], strides = [1, 1]} : vector<2000x256xf32> to vector<2000x128xf32>
    %swap3A_28 = arith.constant 1 : index
    %swap3A_29 = arith.constant 0 : index
    %swap3A_30 = arith.constant 0 : index
    %swap3A_31 = vector.load %arg8[%swap3A_28, %swap3A_29, %swap3A_30] : memref<2x2000x128xf32, #tpu.memory_space<vmem>>, vector<1x2000x128xf32>
    %swap3A_32 = vector.shape_cast %swap3A_31 : vector<1x2000x128xf32> to vector<2000x128xf32>
    %swap3A_33 = vector.shape_cast %slice3A_27 : vector<2000x128xf32> to vector<1x2000x128xf32>
    tpu.vector_store %arg8[%swap3A_28, %swap3A_29, %swap3A_30], %swap3A_33 {strides = array<i32>} : memref<2x2000x128xf32, #tpu.memory_space<vmem>>, vector<1x2000x128xf32>,
    %eq3A_34 = arith.constant 0 : i32
    %eq3A_35 = arith.cmpi eq, %arg1, %eq3A_34 : i32
    %convert_element_type3A_36 = arith.extui %eq3A_35 : i1 to i32
    %cond3A_37 = arith.constant 0 : i32
    %cond3A_38 = arith.cmpi ne, %convert_element_type3A_36, %cond3A_37 : i32
    scf.if %cond3A_38 {
      %get3A_39 = arith.constant 0 : index
      %get3A_40 = arith.constant 0 : index
      %get3A_41 = vector.load %arg12[%get3A_39, %get3A_40] : memref<2000x256xbf16, #tpu.memory_space<vmem>>, vector<2000x256xbf16>
      %get3A_42 = arith.constant 0 : index
      %get3A_43 = arith.constant 0 : index
      %get3A_44 = vector.load %arg5[%get3A_42, %get3A_43] : memref<256x256xf32, #tpu.memory_space<vmem>>, vector<256x256xf32>
      %convert_element_type3A_45 = arith.truncf %get3A_44 : vector<256x256xf32> to vector<256x256xbf16>
      %dot_general3A_46 = arith.constant dense<0.000000e+00> : vector<2000x256xf32>
      %dot_general3A_47 = tpu.matmul %get3A_41, %convert_element_type3A_45, %dot_general3A_46 {dimension_numbers = #tpu.dot_dimension_numbers<[1], [0], [0], [1], [0, 0, 1, 1], [], []>, transpose_lhs_hint = false} : vector<2000x256xbf16>, vector<256x256xbf16>, vector<2000x256xf32> -> vector<2000x256xf32>
      %slice3A_48 = vector.extract_strided_slice %dot_general3A_47 {offsets = [0, 0], sizes = [2000, 128], strides = [1, 1]} : vector<2000x256xf32> to vector<2000x128xf32>
      %swap3A_49 = arith.constant 0 : index
      %swap3A_50 = arith.constant 0 : index
      %swap3A_51 = arith.constant 0 : index
      %swap3A_52 = vector.load %arg9[%swap3A_49, %swap3A_50, %swap3A_51] : memref<2x2000x128xf32, #tpu.memory_space<vmem>>, vector<1x2000x128xf32>
      %swap3A_53 = vector.shape_cast %swap3A_52 : vector<1x2000x128xf32> to vector<2000x128xf32>
      %swap3A_54 = vector.shape_cast %slice3A_48 : vector<2000x128xf32> to vector<1x2000x128xf32>
      tpu.vector_store %arg9[%swap3A_49, %swap3A_50, %swap3A_51], %swap3A_54 {strides = array<i32>} : memref<2x2000x128xf32, #tpu.memory_space<vmem>>, vector<1x2000x128xf32>,
      %slice3A_55 = vector.extract_strided_slice %dot_general3A_47 {offsets = [0, 128], sizes = [2000, 128], strides = [1, 1]} : vector<2000x256xf32> to vector<2000x128xf32>
      %swap3A_56 = arith.constant 1 : index
      %swap3A_57 = arith.constant 0 : index
      %swap3A_58 = arith.constant 0 : index
      %swap3A_59 = vector.load %arg9[%swap3A_56, %swap3A_57, %swap3A_58] : memref<2x2000x128xf32, #tpu.memory_space<vmem>>, vector<1x2000x128xf32>
      %swap3A_60 = vector.shape_cast %swap3A_59 : vector<1x2000x128xf32> to vector<2000x128xf32>
      %swap3A_61 = vector.shape_cast %slice3A_55 : vector<2000x128xf32> to vector<1x2000x128xf32>
      tpu.vector_store %arg9[%swap3A_56, %swap3A_57, %swap3A_58], %swap3A_61 {strides = array<i32>} : memref<2x2000x128xf32, #tpu.memory_space<vmem>>, vector<1x2000x128xf32>,
    } else {
    }
    return
  }
  func.func @transform_0(%arg0: i32, %arg1: i32) -> (i32, i32) {
    %c0_i32 = arith.constant 0 : i32
    %c0_i32_0 = arith.constant 0 : i32
    %c0_i32_1 = arith.constant 0 : i32
    return %c0_i32, %c0_i32_0 : i32, i32
  }
  func.func @transform_1(%arg0: i32, %arg1: i32) -> (i32, i32) {
    %c0_i32 = arith.constant 0 : i32
    %c0_i32_0 = arith.constant 0 : i32
    return %arg0, %c0_i32 : i32, i32
  }
  func.func @transform_2(%arg0: i32, %arg1: i32) -> (i32, i32, i32) {
    %c0_i32 = arith.constant 0 : i32
    %c0_i32_0 = arith.constant 0 : i32
    %c0_i32_1 = arith.constant 0 : i32
    %c0_i32_2 = arith.constant 0 : i32
    return %c0_i32, %c0_i32_0, %c0_i32_1 : i32, i32, i32
  }
  func.func @transform_3(%arg0: i32, %arg1: i32) -> (i32, i32) {
    %c0_i32 = arith.constant 0 : i32
    %c0_i32_0 = arith.constant 0 : i32
    %c0_i32_1 = arith.constant 0 : i32
    return %c0_i32, %c0_i32_0 : i32, i32
  }
  func.func @transform_4(%arg0: i32, %arg1: i32) -> (i32, i32, i32) {
    %c0_i32 = arith.constant 0 : i32
    %c0_i32_0 = arith.constant 0 : i32
    %c0_i32_1 = arith.constant 0 : i32
    %c0_i32_2 = arith.constant 0 : i32
    return %c0_i32, %c0_i32_0, %c0_i32_1 : i32, i32, i32
  }
  func.func @transform_5(%arg0: i32, %arg1: i32) -> (i32, i32) {
    %c0_i32 = arith.constant 0 : i32
    %c0_i32_0 = arith.constant 0 : i32
    %c0_i32_1 = arith.constant 0 : i32
    return %c0_i32, %c0_i32_0 : i32, i32
  }
  func.func @transform_6(%arg0: i32, %arg1: i32) -> (i32, i32, i32) {
    %c0_i32 = arith.constant 0 : i32
    %c0_i32_0 = arith.constant 0 : i32
    return %arg1, %arg0, %c0_i32 : i32, i32, i32
  }
  func.func @transform_7(%arg0: i32, %arg1: i32) -> (i32, i32, i32) {
    %c0_i32 = arith.constant 0 : i32
    %c0_i32_0 = arith.constant 0 : i32
    %c0_i32_1 = arith.constant 0 : i32
    return %c0_i32, %arg0, %c0_i32_0 : i32, i32, i32
  }
  func.func @transform_8(%arg0: i32, %arg1: i32) -> (i32, i32) {
    %c0_i32 = arith.constant 0 : i32
    %c0_i32_0 = arith.constant 0 : i32
    %c0_i32_1 = arith.constant 0 : i32
    return %c0_i32, %c0_i32_0 : i32, i32
  }
}

</mosaic_0001>

<sc_bundles>
// kernel: kernel.4.cloned.1.call-start
scs
__scs_entry_jumppad:
0x0: {  	(pc) =	sbr.rel $0x88, $3  }
0x1: {  	(tag) =	ssettag $0x0;
	lr =	simm.s32 $0x1  }
0x2: {  	[smem:$0x3F9B] =	sst lr;
	_ =	strace $0xD0000000  }
0x3: {  	_ = 	snop  }
0x4: {  	_ = 	snop  }
0x5: {  	_ = 	snop  }
0x6: {  	_ = 	snop  }
0x7: {  	_ = 	snop  }
__scs_overlays_trampoline_lowered:
0x8: {  	[smem:$0x3FAA] =	sst s0  }
0x9: {  	[smem:$0x3FAB] =	sst s1  }
0xa: {  	[smem:$0x3FAC] =	sst s2  }
0xb: {  	[smem:$0x3FAD] =	sst s3  }
0xc: {  	[smem:$0x3FAE] =	sst s4  }
0xd: {  	[smem:$0x3FAF] =	sst s5  }
0xe: {  	[smem:$0x3FB0] =	sst s6  }
0xf: {  	[smem:$0x3FB1] =	sst s7  }
0x10: {  	[smem:$0x3FB2] =	sst s8  }
0x11: {  	[smem:$0x3FB3] =	sst s9;
	s0 =	simm.s32 @!p0 $0x0  }
0x12: {  	s1 =	sld [smem:$0x3F99];
	s0 =	simm.s32 @p0 $0x1  }
0x13: {  	[smem:$0x3FB4] =	sst s0;
	s0 =	simm.s32 @!p1 $0x0  }
0x14: {  	s2 =	sld [smem:$0x3F98];
	s0 =	simm.s32 @p1 $0x1  }
0x15: {  	[smem:$0x3FB5] =	sst s0;
	s0 =	simm.s32 @!p2 $0x0  }
0x16: {  	s3 =	sld [smem:$0x3FDB];
	s0 =	simm.s32 @p2 $0x1  }
0x17: {  	s4 =	simm.s32 $0x1BF5;
	[smem:$0x3FB7] =	sst s0  }
0x18: {  	s0 =	sld [smem:$0x3F9A];
	_ =	swait.ge [sflag:s4], $0x0  }
0x19: {  	s7 =	sld [smem:$0x3F9B]  }
0x1a: {  	s8 =	sadd.s32 $0xFFFFE003, lr  }
0x1b: {  	s9 =	sadd.s32 $0xFFFFFEF7, lr;
	s5 =	simm.s32 $0xFFFFFFFF;
	p2 =	slt.u32 s8, $0xFFFFF086  }
0x1c: {  	p1 =	slt.u32 s9, $0xF7A;
	s5 =	simm.s32 @!p2 $0x0  }
0x1d: {  	s5 =	simm.s32 @p1 $0x1;
	p0 =	seq.s32 s7, s2  }
0x1e: {  	s7 =	smul.u32 @!p0 $0xF7A, s2;
	p2 =	seq.s32 @!p0 s5, $0x0  }
0x1f: {  	s9 =	smul.u32 $0xF7A, s1;
	s8 =	simm.s32 @!p0 $0x1BF5;
	p2 =	por !p2, p0  }
0x20: {  	[sflag:s8] =	ssyncset.s32 @!p0 $0xFFFFF086;
	s6 =	sadd.s32 @!p0 s3, s7;
	s7 =	simm.s32 @!p0 $0x108  }
0x21: {  	s3 =	sadd.s32 s3, s9;
	s6 =	sadd.s32 @!p0 $0x88, s6;
	s7 =	simm.s32 @p2 $0x1082  }
0x22: {  	[simem:s7], [sflag:s8] =	dma.local @!p0 [hbm:s6], $0xF7A  }
0x23: {  	s9 =	sor.u32 $0xD0000000, s2;
	s6 =	simm.s32 $0x108;
	_ =	swait.ge @!p0 [sflag:s8], $0x0  }
0x24: {  	s3 =	sadd.s32 $0x88, s3;
	s6 =	simm.s32 @!p1 $0x1082;
	[sflag:s4] =	ssyncset.s32 $0xFFFFF086  }
0x25: {  	[simem:s6], [sflag:s4] =	dma.local [hbm:s3], $0xF7A  }
0x26: {  	[smem:$0x3F9B] =	sst s1;
	(tag) =	ssettag s2;
	_ =	strace s9  }
0x27: {  	s1 =	sld [smem:$0x3FAB]  }
0x28: {  	s2 =	sld [smem:$0x3FAC]  }
0x29: {  	s4 =	sld [smem:$0x3FAE]  }
0x2a: {  	p0 =	seq.s32 s5, $0x0;
	s5 =	sld [smem:$0x3FAF]  }
0x2b: {  	s6 =	sld [smem:$0x3FB0]  }
0x2c: {  	s7 =	sld [smem:$0x3FB1]  }
0x2d: {  	s3 =	simm.s32 $0x108;
	s8 =	sld [smem:$0x3FB2]  }
0x2e: {  	s3 =	simm.s32 @!p0 $0x1082;
	s9 =	sld [smem:$0x3FB3]  }
0x2f: {  	lr =	sadd.s32 s0, s3;
	s0 =	sld [smem:$0x3FAA]  }
0x30: {  	s3 =	sld [smem:$0x3FAD]  }
0x31: {  	[smem:$0x3FB6] =	sst s10  }
0x32: {  	s10 =	sld [smem:$0x3FB4];
	_ =	sdelay $0x3  }
0x33: {  	p0 =	seq.s32 s10, $0x1;
	s10 =	sld [smem:$0x3FB6];
	_ =	sdelay $0x3  }
0x34: {  	[smem:$0x3FB6] =	sst s10  }
0x35: {  	s10 =	sld [smem:$0x3FB5];
	_ =	sdelay $0x3  }
0x36: {  	p1 =	seq.s32 s10, $0x1;
	s10 =	sld [smem:$0x3FB6];
	_ =	sdelay $0x3  }
0x37: {  	[smem:$0x3FB6] =	sst s10  }
0x38: {  	s10 =	sld [smem:$0x3FB7]  }
0x39: {  	_ = 	snop;
	(pc) =	sbr.ind lr, $3  }
0x3a: {  	_ = 	snop  }
0x3b: {  	_ = 	snop  }
0x3c: {  	p2 =	seq.s32 s10, $0x1;
	s10 =	sld [smem:$0x3FB6]  }
0x3d: {  	_ =	shalt  }
0x3e: {  	_ =	shalt  }
0x3f: {  	_ =	shalt  }
0x40: {  	_ =	shalt  }
0x41: {  	_ =	shalt  }
0x42: {  	_ =	shalt  }
0x43: {  	_ =	shalt  }
0x44: {  	_ =	shalt  }
0x45: {  	_ =	shalt  }
0x46: {  	_ =	shalt  }
0x47: {  	_ =	shalt  }
0x48: {  	_ =	shalt  }
0x49: {  	_ =	shalt  }
0x4a: {  	_ =	shalt  }
0x4b: {  	_ =	shalt  }
0x4c: {  	_ =	shalt  }
0x4d: {  	_ =	shalt  }
0x4e: {  	_ =	shalt  }
0x4f: {  	_ =	shalt  }
0x50: {  	_ =	shalt  }
0x51: {  	_ =	shalt  }
0x52: {  	_ =	shalt  }
0x53: {  	_ =	shalt  }
0x54: {  	_ =	shalt  }
0x55: {  	_ =	shalt  }
0x56: {  	_ =	shalt  }
0x57: {  	_ =	shalt  }
0x58: {  	_ =	shalt  }
0x59: {  	_ =	shalt  }
0x5a: {  	_ =	shalt  }
0x5b: {  	_ =	shalt  }
0x5c: {  	_ =	shalt  }
0x5d: {  	_ =	shalt  }
0x5e: {  	_ =	shalt  }
0x5f: {  	_ =	shalt  }
0x60: {  	_ =	shalt  }
0x61: {  	_ =	shalt  }
0x62: {  	_ =	shalt  }
0x63: {  	_ =	shalt  }
0x64: {  	_ =	shalt  }
0x65: {  	_ =	shalt  }
0x66: {  	_ =	shalt  }
0x67: {  	_ =	shalt  }
0x68: {  	_ =	shalt  }
0x69: {  	_ =	shalt  }
0x6a: {  	_ =	shalt  }
0x6b: {  	_ =	shalt  }
0x6c: {  	_ =	shalt  }
0x6d: {  	_ =	shalt  }
0x6e: {  	_ =	shalt  }
0x6f: {  	_ =	shalt  }
0x70: {  	_ =	shalt  }
0x71: {  	_ =	shalt  }
0x72: {  	_ =	shalt  }
0x73: {  	_ =	shalt  }
0x74: {  	_ =	shalt  }
0x75: {  	_ =	shalt  }
0x76: {  	_ =	shalt  }
0x77: {  	_ =	shalt  }
0x78: {  	_ =	shalt  }
0x79: {  	_ =	shalt  }
0x7a: {  	_ =	shalt  }
0x7b: {  	_ =	shalt  }
0x7c: {  	_ =	shalt  }
0x7d: {  	_ =	shalt  }
0x7e: {  	_ =	shalt  }
0x7f: {  	_ =	shalt  }
0x80: {  	_ =	shalt  }
0x81: {  	_ =	shalt  }
0x82: {  	_ =	shalt  }
0x83: {  	_ =	shalt  }
0x84: {  	_ =	shalt  }
0x85: {  	_ =	shalt  }
0x86: {  	_ =	shalt  }
0x87: {  	_ =	shalt  }
.Lfunc_end0:
.L_simem_size_0:
called_computation_lowered:
.L_overlay_start_0:
0x88: {  	s2 =	sld [smem:$0x3FD9]  }
0x89: {  	s3 =	sld [smem:$0x3FFE];
	_ =	sdelay $0x1  }
0x8a: {  	s1 =	srdreg.scid  }
0x8b: {  	s0 =	sand.u32 $0x1, s1  }
0x8c: {  	s17 =	sshll.u32 s0, $0xA;
	s2 =	sadd.s32 s3, s2  }
0x8d: {  	s2 =	sadd.s32 s2, s17  }
0x8e: {  	[smem:$0x3FC2] =	sst s2  }
0x8f: {  	_ = 	snop  }
0x90: {  	s2 =	sld [smem:$0x3FD0];
	(tm) =	ssettm $0x1  }
0x91: {  	s18 =	sld [smem:$0x3FFB];
	_ =	sdelay $0x3  }
0x92: {  	_ =	strace s18  }
0x93: {  	s3 =	sld [smem:$0x3FFC];
	_ =	sdelay $0x3  }
0x94: {  	_ =	strace s3  }
0x95: {  	s3 =	sld [smem:$0x3FFD];
	_ =	sdelay $0x3  }
0x96: {  	_ =	strace s3  }
0x97: {  	_ =	strace $0x8FFFFFFF  }
0x98: {  	s19 =	sld [smem:$0x3FDB];
	_ =	sdelay $0x1  }
0x99: {  	s4 =	simm.s32 $_scs_section_size  }
0x9a: {  	s5 =	simm.s32 $_size__tile_overlayer_lowered;
	s6 =	simm.s32 $_tile_overlayer_lowered  }
0x9b: {  	s22 =	simm.s32 $0x1BFF;
	s21 =	sshll.u32 s6, $0x1;
	s3 =	sadd.s32 s4, s19  }
0x9c: {  	s7 =	simm.s32 $0x0;
	s20 =	sshll.u32 s5, $0x1;
	s5 =	sadd.s32 s21, s3  }
0x9d: {  	[timem:s7], [sflag:s22] =	dma.local [hbm:s5], s20  }
0x9e: {  	_ =	swait.ge [sflag:s22], s20  }
0x9f: {  	s4 =	ssub.s32 $0x0, s20;
	[sflag:s22] =	ssyncset.done $0x0  }
0xa0: {  	[sflag:s22] =	ssyncadd.s32 s4;
	_ =	sdelay $0x1  }
0xa1: {  	s23 =	simm.s32 $0x1B8B  }
0xa2: {  	_ =	swait.ge [sflag:s23], $0x1  }
0xa3: {  	[sflag:s23] =	ssyncset.done $0x0  }
0xa4: {  	s25 =	simm.s32 $0x1B8E;
	s24 =	sld [smem:$0x3FFE];
	[sflag:s23] =	ssyncadd.s32 $0xFFFFFFFF  }
0xa5: {  	s26 =	simm.s32 $execute0_lowered;
	[smem:$0x3FD2] =	sst s25  }
0xa6: {  	s5 =	sshll.u32 s26, $0x1;
	_ =	strace $0x80000046;
	[dreg:$0x1] =	wrdreg $0xFFFFFFFF  }
0xa7: {  	s28 =	simm.s32 $_size_execute0_lowered;
	s3 =	sadd.s32 s3, s5;
	[dreg:$0x0] =	wrdreg $0x0  }
0xa8: {  	s5 =	sshll.u32 s28, $0x1;
	[dreg:$0x2] =	wrdreg s3  }
0xa9: {  	[dreg:$0x3] =	wrdreg s5  }
0xaa: {  	[dreg:$0x4] =	wrdreg $0xC0  }
0xab: {  	_ =	task [dreg:s7], $0x5FFFF  }
0xac: {  	[dreg:$0x1] =	wrdreg $0xFFFFFFFF  }
0xad: {  	[dreg:$0x0] =	wrdreg $0x60  }
0xae: {  	[dreg:$0x2] =	wrdreg s24  }
0xaf: {  	[dreg:$0x3] =	wrdreg s2  }
0xb0: {  	[dreg:$0x4] =	wrdreg $0xA6000  }
0xb1: {  	[dreg:$0x5] =	wrdreg $0x9  }
0xb2: {  	_ =	task.clear_ibuf [dreg:s7], $0x6FFFF;
	_ =	strace $0x90000046  }
0xb3: {  	s29 =	simm.s32 $0x9;
	_ =	strace $0x80000048  }
0xb4: {  	_ =	swait.ge [sflag:s29], $0x1  }
0xb5: {  	[sflag:s29] =	ssyncadd.s32 $0xFFFFFFFF  }
0xb6: {  	_ =	strace $0x90000048  }
0xb7: {  	_ =	sfence  }
0xb8: {  	s30 =	sld [smem:$0x0];
	_ =	sdelay $0x2  }
0xb9: {  	s31 =	sshll.u32 s1, $0xD;
	s1 =	sshrl.u32 s1, $0x2  }
0xba: {  	s3 =	sand.u32 $0x4000, s31;
	s1 =	sadd.s32 s1, s30  }
0xbb: {  	s0 =	sor.u32 s3, s0;
	s1 =	sshll.u32 s1, $0x11  }
0xbc: {  	s0 =	sor.u32 s1, s0  }
0xbd: {  	s0 =	sadd.s32 $0x8F2B, s0  }
0xbe: {  	[sflag:s0] =	ssyncadd.remote.s32 $0x1  }
0xbf: {  	_ =	sfence.sel $0xFFFF  }
0xc0: {  	[dreg:$0x0] =	wrdreg $0xFFFFFFFF;
	(pc) =	sbr.abs _section_cstart, $3  }
0xc1: {  	[dreg:$0x1] =	wrdreg $0xFFFFFFFF  }
0xc2: {  	_ =	task.clear_ibuf [dreg:s7], $0x2FFFF;
	_ =	strace $0x9FFFFFFF  }
0xc3: {  	(tm) =	ssettm $0x7FFFFFFF  }
tec
execute0_lowered:
.L_overlay_start_1:
0x0: {  	(tag) =	ssettag $0x1  }
0x1: {  	s0 =	rddreg [dreg:$0x0]  }
0x2: {  	s2 =	rddreg [dreg:$0x1]  }
0x3: {  	s1 =	rddreg [dreg:$0x2];
	s3 =	simm.s32 $0x0;
	s11 =	stileid.u32  }
0x4: {  	s4 =	srdreg.scid;
	s29 =	simm.s32 $0x100;
	s6 =	smul.u32 $0x1F400, s11  }
0x5: {  	s28 =	simm.s32 $0x3;
	s30 =	simm.s32 $0x5600;
	s8 =	smul.u32 $0x7D000, s11  }
0x6: {  	s31 =	simm.s32 $0x6;
	s15 =	simm.s32 $0x380;
	s10 =	smul.u32 $0x2710, s11  }
0x7: {  	[smem:$0x7FF] =	sst s3;
	s13 =	sand.u32 $0x1, s4;
	s21 =	smul.u32 $0x3E800, s11  }
0x8: {  	s4 =	sadd.s32 $0x1000, s0;
	s7 =	sadd.s32 $0x531200, s0;
	s24 =	smul.u32 $0x4E2, s11  }
0x9: {  	p0 =	sgt.u32 s11, $0x9;
	s5 =	smul.u32 $0x138800, s13;
	s17 =	ssub.s32 $0x2, s13  }
0xa: {  	_ =	strace $0x80000047;
	s22 =	sshll.u32 s13, $0xA;
	s9 =	sshrl.u32 s17, $0x1  }
0xb: {  	s19 =	sshrl.u32 s8, $0x2;
	s20 =	sshrl.u32 s10, $0x3;
	s12 =	sadd.s32 s24, s7  }
0xc: {  	s24 =	simm.s32 $0x2E00;
	s5 =	sadd.s32 s6, s5;
	s18 =	ssub.s32 s17, s9  }
0xd: {  	s6 =	sadd.s32 s19, s1;
	s10 =	sadd.s32 s7, s20;
	s19 =	simm.s32 $0x50  }
0xe: {  	s20 =	simm.s32 $0x200;
	s7 =	simm.s32 $0x7;
	s9 =	simm.s32 $0x9  }
0xf: {  	s5 =	sshrl.u32 s5, $0x3;
	s8 =	sadd.s32 $0xA, s10;
	[dreg:$0x5] =	wrdreg s10  }
0x10: {  	s23 =	sadd.s32 $0x14, s10;
	s25 =	sadd.s32 $0x1E, s10;
	[dreg:$0x6] =	wrdreg s8  }
0x11: {  	s26 =	smax.u32 s18, $0x1;
	s17 =	sshrl.u32 @!p0 s6, $0x3;
	[dreg:$0x7] =	wrdreg s23  }
0x12: {  	s18 =	simm.s32 $0x1;
	s10 =	simm.s32 $0x8;
	[dreg:$0x8] =	wrdreg s25  }
0x13: {  	s6 =	simm.s32 $0xA;
	s0 =	sadd.s32 s5, s0;
	[dreg:$0xa] =	wrdreg s26  }
0x14: {  	s25 =	simm.s32 $0x5;
	s26 =	simm.s32 $0x400;
	s0 =	sadd.s32 $0x4E3000, s0  }
0x15: {  	s5 =	simm.s32 $0x7E00;
	[dreg:$0x4] =	wrdreg s0;
	s0 =	sor.u32 s22, s21  }
.Ltmp0:
0x16: {  	s8 =	simm.s32 $0x500;
	s0 =	sshrl.u32 s0, $0x3;
	(pc) =	sbr.rel .LBB2_1-.Ltmp0, $4  }
0x17: {  	s23 =	simm.s32 $0x0;
	[dreg:$0xc] =	wrdreg s17;
	s0 =	sadd.s32 s2, s0  }
0x18: {  	s21 =	simm.s32 $0x600;
	[dreg:$0x9] =	wrdreg s0;
	s0 =	sshll.u32 @!p0 s11, $0x6  }
0x19: {  	s22 =	simm.s32 $0x2;
	s2 =	simm.s32 $0x4;
	s16 =	sor.u32 @!p0 $0x1C0D, s0  }
0x1a: {  	v0 =	vmov s13;
	s11 =	simm.s32 $0x580;
	s0 =	simm.s32 $0x480;
	[dreg:$0xb] =	wrdreg s16  }
.LBB2_4:
0x1b: {  	_ =	swait.ge [sflag:s10], $0x2800  }
0x1c: {  	[sflag:s10] =	ssyncset.done $0x0  }
0x1d: {  	[sflag:s10] =	ssyncadd.s32 $0xFFFFD800  }
0x1e: {  	[spmem:s1] =	stream.indirect.scatter.add.f32 [tilespmem:s5], [sflag:$0xC], $0x80, s11, s19, $0xb8;
	[tilespmem:$0x1DE80] =	vst v63  }
0x1f: {  	_ =	swait.ge [sflag:s6], $0x2800  }
0x20: {  	[sflag:s6] =	ssyncset.done $0x0  }
0x21: {  	[sflag:s6] =	ssyncadd.s32 $0xFFFFD800  }
0x22: {  	_ =	swait.ge [sflag:s25], $0x2800  }
0x23: {  	[sflag:s25] =	ssyncset.done $0x0  }
0x24: {  	s13 =	simm.s32 $0xB;
	[sflag:s25] =	ssyncadd.s32 $0xFFFFD800  }
0x25: {  	[spmem:s1] =	stream.indirect.scatter.add.f32 [tilespmem:s21], [sflag:$0x9], $0x80, s26, s19, $0xb8;
	[tilespmem:$0x1DE80] =	vst v63  }
0x26: {  	_ =	swait.ge [sflag:s13], $0x2800  }
0x27: {  	[sflag:s13] =	ssyncset.done $0x0  }
0x28: {  	s23 =	simm.s32 $0xC;
	[sflag:s13] =	ssyncadd.s32 $0xFFFFD800  }
0x29: {  	_ =	swait.ge [sflag:s23], $0x2800  }
0x2a: {  	[sflag:s23] =	ssyncset.done $0x0  }
0x2b: {  	[sflag:s23] =	ssyncadd.s32 $0xFFFFD800  }
0x2c: {  	_ =	swait.ge [sflag:s9], $0x2800  }
0x2d: {  	[sflag:s9] =	ssyncset.done $0x0  }
0x2e: {  	[sflag:s9] =	ssyncadd.s32 $0xFFFFD800  }
0x2f: {  	[bflag:$0x0] =	sbarrier.arrive $0xFFFF  }
0x30: {  	s17 =	rddreg [dreg:$0x9]  }
0x31: {  	s14 =	simm.s32 @!p0 $0x100;
	s23 =	rddreg [dreg:$0xb]  }
0x32: {  	s16 =	simm.s32 @!p0 $0x80;
	s13 =	simm.s32 @!p0 $0x8;
	s29 =	rddreg [dreg:$0xc]  }
0x33: {  	[hbm:s17@s14], [sflag:s23] =	dma.strided @!p0 [spmem:s29@s16], $0x3E80, s13, $0x10   }
0x34: {  	s13 =	simm.s32 @!p0 $0xD  }
0x35: {  	_ =	swait.ge @!p0 [sflag:s13], $0x3E80  }
0x36: {  	s14 =	rddreg [dreg:$0xd]  }
0x37: {  	s16 =	smov.u32 s23;
	s23 =	sadd.s32 $0x1, s14;
	s14 =	rddreg [dreg:$0xa]  }
0x38: {  	p1 =	sne.s32 s23, s14  }
.Ltmp1:
0x39: {  	_ = 	snop;
	(pc) =	sbr.rel @!p1 .LBB2_5-.Ltmp1, $3  }
0x3a: {  	_ =	sdelay $0x1  }
0x3b: {  	[sflag:s13] =	ssyncset.done @!p0 $0x0  }
0x3c: {  	s17 =	smov.u32 s29;
	s29 =	simm.s32 $0x100;
	[sflag:s13] =	ssyncadd.s32 @!p0 $0xFFFFC180  }
.LBB2_1:
0x3d: {  	[dreg:$0xd] =	wrdreg s23  }
0x3e: {  	s13 =	rddreg [dreg:$0x4]  }
0x3f: {  	[spmem:s17], [sflag:s16] =	dma.local @!p0 [hbm:s13], $0x3E80  }
0x40: {  	s13 =	simm.s32 @!p0 $0xD  }
0x41: {  	_ =	swait.ge @!p0 [sflag:s13], $0x3E80  }
0x42: {  	[sflag:s13] =	ssyncset.done @!p0 $0x0  }
0x43: {  	s17 =	rddreg [dreg:$0x5];
	[sflag:s13] =	ssyncadd.s32 @!p0 $0xFFFFC180  }
0x44: {  	[tilespmem:s3], [sflag:$0x1] =	stream.linear.gather [hbm4b:s17+s3], $0x50, $0x38;
	[tilespmem:$0x1DE80] =	vst v63  }
0x45: {  	s14 =	simm.s32 $0x80;
	s23 =	rddreg [dreg:$0x6]  }
0x46: {  	[tilespmem:s14], [sflag:$0x2] =	stream.linear.gather [hbm4b:s23+s3], $0x50, $0x38;
	[tilespmem:$0x1DE80] =	vst v63  }
0x47: {  	s14 =	rddreg [dreg:$0x7]  }
0x48: {  	[tilespmem:s29], [sflag:$0x3] =	stream.linear.gather [hbm4b:s14+s3], $0x50, $0x38;
	[tilespmem:$0x1DE80] =	vst v63  }
0x49: {  	s16 =	rddreg [dreg:$0x8];
	s17 =	simm.s32 $0x180  }
0x4a: {  	[tilespmem:s17], [sflag:$0x4] =	stream.linear.gather [hbm4b:s16+s3], $0x50, $0x38;
	[tilespmem:$0x1DE80] =	vst v63  }
0x4b: {  	[bflag:$0x0] =	sbarrier.arrive $0xFFFF  }
0x4c: {  	_ =	swait.ge [sflag:s18], $0x50  }
0x4d: {  	[sflag:s18] =	ssyncset.done $0x0  }
0x4e: {  	[sflag:s18] =	ssyncadd.s32 $0xFFFFFFB0  }
0x4f: {  	v1 =	vld [tilespmem:$0x0]  }
0x50: {  	v2 =	vld [tilespmem:$0x10]  }
0x51: {  	v4 =	vld [tilespmem:$0x20];
	_ =	sdelay $0x1  }
0x52: {  	v6 =	vld [tilespmem:$0x30]  }
0x53: {  	v48 =	vld [tilespmem:$0x40];
	v3 =	vshrl.u32 v1, $0x1B  }
0x54: {  	v5 =	vshrl.u32 v2, $0x1B;
	v7 =	vand.u32 $0x3FFF, v1;
	v1 =	vshrl.u32 v1, $0xE  }
0x55: {  	v8 =	vshrl.u32 v2, $0xE;
	v9 =	vshrl.u32 v4, $0x1B;
	v3 =	vand.u32 $0x1E, v3  }
0x56: {  	v2 =	vand.u32 $0x3FFF, v2;
	v5 =	vand.u32 $0x1E, v5;
	v3 =	vor.u32 v0, v3  }
0x57: {  	v49 =	vshrl.u32 v6, $0x1B;
	v5 =	vor.u32 v0, v5;
	v3 =	vmul.u32 $0x2710, v3  }
0x58: {  	v51 =	vshrl.u32 v48, $0x1B;
	v1 =	vand.u32 $0x3FFF, v1;
	v5 =	vmul.u32 $0x2710, v5  }
0x59: {  	v8 =	vand.u32 $0x3FFF, v8;
	v9 =	vand.u32 $0x1E, v9;
	[tilespmem:$0x400] =	vst v1;
	v3 =	vadd.s32 v7, v3  }
0x5a: {  	v52 =	vand.u32 $0x1E, v51;
	v2 =	vadd.s32 v2, v5;
	[tilespmem:$0x200] =	vst v3;
	v3 =	vor.u32 v0, v9  }
0x5b: {  	v5 =	vand.u32 $0x1E, v49;
	[tilespmem:$0x210] =	vst v2;
	v2 =	vshrl.u32 v4, $0xE;
	v3 =	vmul.u32 $0x2710, v3  }
0x5c: {  	v1 =	vand.u32 $0x3FFF, v4;
	[tilespmem:$0x410] =	vst v8;
	v50 =	vor.u32 v0, v5;
	v2 =	vand.u32 $0x3FFF, v2  }
0x5d: {  	[tilespmem:$0x420] =	vst v2;
	v2 =	vshrl.u32 v6, $0xE;
	v1 =	vadd.s32 v1, v3;
	v3 =	vmul.u32 $0x2710, v50  }
0x5e: {  	v4 =	vor.u32 v0, v52;
	v2 =	vand.u32 $0x3FFF, v2;
	[tilespmem:$0x220] =	vst v1;
	v1 =	vand.u32 $0x3FFF, v6  }
0x5f: {  	[tilespmem:$0x430] =	vst v2;
	v2 =	vshrl.u32 v48, $0xE;
	v1 =	vadd.s32 v1, v3;
	v3 =	vmul.u32 $0x2710, v4  }
0x60: {  	v2 =	vand.u32 $0x3FFF, v2;
	[tilespmem:$0x230] =	vst v1;
	v1 =	vand.u32 $0x3FFF, v48  }
0x61: {  	[tilespmem:$0x440] =	vst v2;
	v1 =	vadd.s32 v1, v3  }
0x62: {  	[tilespmem:$0x240] =	vst v1  }
0x63: {  	[tilespmem:s21], [sflag:$0x5] =	stream.indirect.gather [hbm4b:s4+s19], $0x80, s20, s19, $0xb8;
	[tilespmem:$0x1DE80] =	vst v63  }
0x64: {  	_ =	swait.ge [sflag:s22], $0x50  }
0x65: {  	[sflag:s22] =	ssyncset.done $0x0  }
0x66: {  	[sflag:s22] =	ssyncadd.s32 $0xFFFFFFB0  }
0x67: {  	v1 =	vld [tilespmem:$0x80];
	_ =	sdelay $0x2  }
0x68: {  	v2 =	vld [tilespmem:$0x90]  }
0x69: {  	v53 =	vld [tilespmem:$0xA0]  }
0x6a: {  	v3 =	vshrl.u32 v1, $0x1B  }
0x6b: {  	v55 =	vld [tilespmem:$0xB0];
	v3 =	vand.u32 $0x1E, v3  }
0x6c: {  	v58 =	vld [tilespmem:$0xC0];
	v3 =	vor.u32 v0, v3  }
0x6d: {  	v54 =	vshrl.u32 v1, $0xE;
	v3 =	vmul.u32 $0x2710, v3  }
0x6e: {  	v1 =	vand.u32 $0x3FFF, v1;
	v56 =	vshrl.u32 v2, $0x1B;
	v57 =	vshrl.u32 v53, $0x1B  }
0x6f: {  	v59 =	vand.u32 $0x3FFF, v2;
	v1 =	vadd.s32 v1, v3;
	v3 =	vand.u32 $0x1E, v56  }
0x70: {  	v2 =	vshrl.u32 v2, $0xE;
	v60 =	vshrl.u32 v55, $0x1B;
	v3 =	vor.u32 v0, v3  }
0x71: {  	v62 =	vshrl.u32 v58, $0x1B;
	v7 =	vand.u32 $0x1E, v57;
	v3 =	vmul.u32 $0x2710, v3  }
0x72: {  	v5 =	vand.u32 $0x3FFF, v54;
	v7 =	vor.u32 v0, v7;
	[tilespmem:$0x280] =	vst v1;
	v1 =	vand.u32 $0x3FFF, v2  }
0x73: {  	[tilespmem:$0x480] =	vst v5;
	v2 =	vmul.u32 $0x2710, v7;
	v7 =	vand.u32 $0x1E, v60;
	v3 =	vadd.s32 v59, v3  }
0x74: {  	v61 =	vand.u32 $0x3FFF, v53;
	v63 =	vand.u32 $0x1E, v62;
	[tilespmem:$0x290] =	vst v3;
	v3 =	vor.u32 v0, v7  }
0x75: {  	[tilespmem:$0x490] =	vst v1;
	v1 =	vshrl.u32 v53, $0xE;
	v2 =	vadd.s32 v61, v2;
	v3 =	vmul.u32 $0x2710, v3  }
0x76: {  	v4 =	vor.u32 v0, v63;
	v1 =	vand.u32 $0x3FFF, v1;
	[tilespmem:$0x2A0] =	vst v2;
	v2 =	vand.u32 $0x3FFF, v55  }
0x77: {  	[tilespmem:$0x4A0] =	vst v1;
	v1 =	vadd.s32 v2, v3;
	v2 =	vshrl.u32 v55, $0xE;
	v3 =	vmul.u32 $0x2710, v4  }
0x78: {  	v2 =	vand.u32 $0x3FFF, v2;
	[tilespmem:$0x2B0] =	vst v1;
	v1 =	vand.u32 $0x3FFF, v58  }
0x79: {  	[tilespmem:$0x4B0] =	vst v2;
	v2 =	vshrl.u32 v58, $0xE;
	v1 =	vadd.s32 v1, v3  }
0x7a: {  	v2 =	vand.u32 $0x3FFF, v2;
	[tilespmem:$0x2C0] =	vst v1  }
0x7b: {  	s23 =	simm.s32 $0x280;
	s14 =	simm.s32 $0x0;
	[tilespmem:$0x4C0] =	vst v2  }
0x7c: {  	[tilespmem:s24], [sflag:$0x6] =	stream.indirect.gather [hbm4b:s4+s19], $0x80, s23, s19, $0xb8;
	[tilespmem:$0x1DE80] =	vst v63  }
.LBB2_2:
0x7d: {  	_ =	swait.ge [sflag:s25], $0x2800  }
0x7e: {  	p1 =	seq.s32 s14, $0x0;
	[sflag:s25] =	ssyncset.done $0x0  }
0x7f: {  	s13 =	simm.s32 @!p1 $0xB;
	[sflag:s25] =	ssyncadd.s32 $0xFFFFD800  }
0x80: {  	[spmem:s1] =	stream.indirect.scatter.add.f32 [tilespmem:s21], [sflag:$0x9], $0x80, s26, s19, $0xb8;
	[tilespmem:$0x1DE80] =	vst v63  }
0x81: {  	_ =	swait.ge @!p1 [sflag:s13], $0x2800  }
0x82: {  	[sflag:s13] =	ssyncset.done @!p1 $0x0  }
0x83: {  	[sflag:s13] =	ssyncadd.s32 @!p1 $0xFFFFD800  }
0x84: {  	_ =	swait.ge [sflag:s28], $0x50  }
0x85: {  	[sflag:s28] =	ssyncset.done $0x0  }
0x86: {  	[sflag:s28] =	ssyncadd.s32 $0xFFFFFFB0  }
0x87: {  	v1 =	vld [tilespmem:$0x100]  }
0x88: {  	v2 =	vld [tilespmem:$0x110]  }
0x89: {  	v4 =	vld [tilespmem:$0x120];
	_ =	sdelay $0x1  }
0x8a: {  	v6 =	vld [tilespmem:$0x130]  }
0x8b: {  	v37 =	vld [tilespmem:$0x140];
	v3 =	vshrl.u32 v1, $0x1B  }
0x8c: {  	v5 =	vshrl.u32 v2, $0x1B;
	v7 =	vand.u32 $0x3FFF, v1;
	v1 =	vshrl.u32 v1, $0xE  }
0x8d: {  	v8 =	vshrl.u32 v2, $0xE;
	v9 =	vshrl.u32 v4, $0x1B;
	v3 =	vand.u32 $0x1E, v3  }
0x8e: {  	v2 =	vand.u32 $0x3FFF, v2;
	v5 =	vand.u32 $0x1E, v5;
	v3 =	vor.u32 v0, v3  }
0x8f: {  	v38 =	vshrl.u32 v6, $0x1B;
	v5 =	vor.u32 v0, v5;
	v3 =	vmul.u32 $0x2710, v3  }
0x90: {  	v40 =	vshrl.u32 v37, $0x1B;
	v1 =	vand.u32 $0x3FFF, v1;
	v5 =	vmul.u32 $0x2710, v5  }
0x91: {  	v8 =	vand.u32 $0x3FFF, v8;
	v9 =	vand.u32 $0x1E, v9;
	[tilespmem:$0x500] =	vst v1;
	v3 =	vadd.s32 v7, v3  }
0x92: {  	v41 =	vand.u32 $0x1E, v40;
	v2 =	vadd.s32 v2, v5;
	[tilespmem:$0x300] =	vst v3;
	v3 =	vor.u32 v0, v9  }
0x93: {  	v5 =	vand.u32 $0x1E, v38;
	[tilespmem:$0x310] =	vst v2;
	v2 =	vshrl.u32 v4, $0xE;
	v3 =	vmul.u32 $0x2710, v3  }
0x94: {  	v1 =	vand.u32 $0x3FFF, v4;
	[tilespmem:$0x510] =	vst v8;
	v39 =	vor.u32 v0, v5;
	v2 =	vand.u32 $0x3FFF, v2  }
0x95: {  	[tilespmem:$0x520] =	vst v2;
	v2 =	vshrl.u32 v6, $0xE;
	v1 =	vadd.s32 v1, v3;
	v3 =	vmul.u32 $0x2710, v39  }
0x96: {  	v4 =	vor.u32 v0, v41;
	v2 =	vand.u32 $0x3FFF, v2;
	[tilespmem:$0x320] =	vst v1;
	v1 =	vand.u32 $0x3FFF, v6  }
0x97: {  	[tilespmem:$0x530] =	vst v2;
	v2 =	vshrl.u32 v37, $0xE;
	v1 =	vadd.s32 v1, v3;
	v3 =	vmul.u32 $0x2710, v4  }
0x98: {  	v2 =	vand.u32 $0x3FFF, v2;
	[tilespmem:$0x330] =	vst v1;
	v1 =	vand.u32 $0x3FFF, v37  }
0x99: {  	[tilespmem:$0x540] =	vst v2;
	v1 =	vadd.s32 v1, v3  }
0x9a: {  	s23 =	simm.s32 $0x300;
	s13 =	sadd.s32 s14, s12;
	[tilespmem:$0x340] =	vst v1  }
0x9b: {  	[tilespmem:s30], [sflag:$0x7] =	stream.indirect.gather [hbm4b:s4+s19], $0x80, s23, s19, $0xb8;
	[tilespmem:$0x1DE80] =	vst v63  }
0x9c: {  	s16 =	sadd.s32 $0x28, s13  }
0x9d: {  	[tilespmem:s3], [sflag:$0x1] =	stream.linear.gather [hbm4b:s16+s3], $0x50, $0x38;
	[tilespmem:$0x1DE80] =	vst v63  }
0x9e: {  	_ =	swait.ge [sflag:s31], $0x2800  }
0x9f: {  	[sflag:s31] =	ssyncset.done $0x0  }
0xa0: {  	s16 =	simm.s32 @!p1 $0xC;
	[sflag:s31] =	ssyncadd.s32 $0xFFFFD800  }
0xa1: {  	[spmem:s1] =	stream.indirect.scatter.add.f32 [tilespmem:s24], [sflag:$0xA], $0x80, s0, s19, $0xb8;
	[tilespmem:$0x1DE80] =	vst v63  }
0xa2: {  	_ =	swait.ge @!p1 [sflag:s16], $0x2800  }
0xa3: {  	[sflag:s16] =	ssyncset.done @!p1 $0x0  }
0xa4: {  	[sflag:s16] =	ssyncadd.s32 @!p1 $0xFFFFD800  }
0xa5: {  	_ =	swait.ge [sflag:s2], $0x50  }
0xa6: {  	[sflag:s2] =	ssyncset.done $0x0  }
0xa7: {  	[sflag:s2] =	ssyncadd.s32 $0xFFFFFFB0  }
0xa8: {  	v1 =	vld [tilespmem:$0x180]  }
0xa9: {  	v2 =	vld [tilespmem:$0x190]  }
0xaa: {  	v42 =	vld [tilespmem:$0x1A0];
	_ =	sdelay $0x1  }
0xab: {  	v44 =	vld [tilespmem:$0x1B0]  }
0xac: {  	v46 =	vld [tilespmem:$0x1C0];
	v3 =	vshrl.u32 v1, $0x1B  }
0xad: {  	v43 =	vshrl.u32 v2, $0x1B;
	v45 =	vand.u32 $0x3FFF, v1;
	v1 =	vshrl.u32 v1, $0xE  }
0xae: {  	v47 =	vshrl.u32 v2, $0xE;
	v48 =	vshrl.u32 v42, $0x1B;
	v3 =	vand.u32 $0x1E, v3  }
0xaf: {  	v2 =	vand.u32 $0x3FFF, v2;
	v5 =	vand.u32 $0x1E, v43;
	v3 =	vor.u32 v0, v3  }
0xb0: {  	v49 =	vshrl.u32 v44, $0x1B;
	v5 =	vor.u32 v0, v5;
	v3 =	vmul.u32 $0x2710, v3  }
0xb1: {  	v51 =	vshrl.u32 v46, $0x1B;
	v1 =	vand.u32 $0x3FFF, v1;
	v5 =	vmul.u32 $0x2710, v5  }
0xb2: {  	v8 =	vand.u32 $0x3FFF, v47;
	v9 =	vand.u32 $0x1E, v48;
	[tilespmem:$0x580] =	vst v1;
	v3 =	vadd.s32 v45, v3  }
0xb3: {  	v52 =	vand.u32 $0x1E, v51;
	v2 =	vadd.s32 v2, v5;
	[tilespmem:$0x380] =	vst v3;
	v3 =	vor.u32 v0, v9  }
0xb4: {  	v5 =	vand.u32 $0x1E, v49;
	[tilespmem:$0x390] =	vst v2;
	v2 =	vshrl.u32 v42, $0xE;
	v3 =	vmul.u32 $0x2710, v3  }
0xb5: {  	v1 =	vand.u32 $0x3FFF, v42;
	[tilespmem:$0x590] =	vst v8;
	v50 =	vor.u32 v0, v5;
	v2 =	vand.u32 $0x3FFF, v2  }
0xb6: {  	[tilespmem:$0x5A0] =	vst v2;
	v2 =	vshrl.u32 v44, $0xE;
	v1 =	vadd.s32 v1, v3;
	v3 =	vmul.u32 $0x2710, v50  }
0xb7: {  	v4 =	vor.u32 v0, v52;
	v2 =	vand.u32 $0x3FFF, v2;
	[tilespmem:$0x3A0] =	vst v1;
	v1 =	vand.u32 $0x3FFF, v44  }
0xb8: {  	[tilespmem:$0x5B0] =	vst v2;
	v2 =	vshrl.u32 v46, $0xE;
	v1 =	vadd.s32 v1, v3;
	v3 =	vmul.u32 $0x2710, v4  }
0xb9: {  	v2 =	vand.u32 $0x3FFF, v2;
	[tilespmem:$0x3B0] =	vst v1;
	v1 =	vand.u32 $0x3FFF, v46  }
0xba: {  	p1 =	seq.s32 s14, $0x4B0;
	[tilespmem:$0x5C0] =	vst v2;
	v1 =	vadd.s32 v1, v3  }
0xbb: {  	s16 =	sadd.s32 @!p1 s14, s12;
	[tilespmem:$0x3C0] =	vst v1  }
0xbc: {  	[tilespmem:s5], [sflag:$0x8] =	stream.indirect.gather [hbm4b:s4+s19], $0x80, s15, s19, $0xb8;
	[tilespmem:$0x1DE80] =	vst v63  }
0xbd: {  	s17 =	simm.s32 @!p1 $0x0;
	s23 =	simm.s32 @!p1 $0x80;
	s16 =	sadd.s32 @!p1 $0x32, s16  }
0xbe: {  	[tilespmem:s23], [sflag:$0x2] =	stream.linear.gather @!p1 [hbm4b:s16+s17], $0x50, $0x38;
	[tilespmem:$0x1DE80] =	vst v63  }
0xbf: {  	_ =	swait.ge [sflag:s7], $0x2800  }
0xc0: {  	[sflag:s7] =	ssyncset.done $0x0  }
0xc1: {  	[sflag:s7] =	ssyncadd.s32 $0xFFFFD800  }
0xc2: {  	[spmem:s1] =	stream.indirect.scatter.add.f32 [tilespmem:s30], [sflag:$0xB], $0x80, s8, s19, $0xb8;
	[tilespmem:$0x1DE80] =	vst v63  }
0xc3: {  	_ =	swait.ge [sflag:s9], $0x2800  }
0xc4: {  	[sflag:s9] =	ssyncset.done $0x0  }
0xc5: {  	[sflag:s9] =	ssyncadd.s32 $0xFFFFD800  }
0xc6: {  	_ =	swait.ge [sflag:s18], $0x50  }
0xc7: {  	[sflag:s18] =	ssyncset.done $0x0  }
0xc8: {  	[sflag:s18] =	ssyncadd.s32 $0xFFFFFFB0  }
0xc9: {  	v1 =	vld [tilespmem:$0x0];
	_ =	sdelay $0x2  }
0xca: {  	v2 =	vld [tilespmem:$0x10]  }
0xcb: {  	v53 =	vld [tilespmem:$0x20]  }
0xcc: {  	v3 =	vshrl.u32 v1, $0x1B  }
0xcd: {  	v55 =	vld [tilespmem:$0x30];
	v3 =	vand.u32 $0x1E, v3  }
0xce: {  	v58 =	vld [tilespmem:$0x40];
	v3 =	vor.u32 v0, v3  }
0xcf: {  	v54 =	vshrl.u32 v1, $0xE;
	v3 =	vmul.u32 $0x2710, v3  }
0xd0: {  	v1 =	vand.u32 $0x3FFF, v1;
	v56 =	vshrl.u32 v2, $0x1B;
	v57 =	vshrl.u32 v53, $0x1B  }
0xd1: {  	v59 =	vand.u32 $0x3FFF, v2;
	v1 =	vadd.s32 v1, v3;
	v3 =	vand.u32 $0x1E, v56  }
0xd2: {  	v2 =	vshrl.u32 v2, $0xE;
	v60 =	vshrl.u32 v55, $0x1B;
	v3 =	vor.u32 v0, v3  }
0xd3: {  	v62 =	vshrl.u32 v58, $0x1B;
	v7 =	vand.u32 $0x1E, v57;
	v3 =	vmul.u32 $0x2710, v3  }
0xd4: {  	v5 =	vand.u32 $0x3FFF, v54;
	v7 =	vor.u32 v0, v7;
	[tilespmem:$0x200] =	vst v1;
	v1 =	vand.u32 $0x3FFF, v2  }
0xd5: {  	[tilespmem:$0x400] =	vst v5;
	v2 =	vmul.u32 $0x2710, v7;
	v7 =	vand.u32 $0x1E, v60;
	v3 =	vadd.s32 v59, v3  }
0xd6: {  	v61 =	vand.u32 $0x3FFF, v53;
	v63 =	vand.u32 $0x1E, v62;
	[tilespmem:$0x210] =	vst v3;
	v3 =	vor.u32 v0, v7  }
0xd7: {  	[tilespmem:$0x410] =	vst v1;
	v1 =	vshrl.u32 v53, $0xE;
	v2 =	vadd.s32 v61, v2;
	v3 =	vmul.u32 $0x2710, v3  }
0xd8: {  	v4 =	vor.u32 v0, v63;
	v1 =	vand.u32 $0x3FFF, v1;
	[tilespmem:$0x220] =	vst v2;
	v2 =	vand.u32 $0x3FFF, v55  }
0xd9: {  	[tilespmem:$0x420] =	vst v1;
	v1 =	vadd.s32 v2, v3;
	v2 =	vshrl.u32 v55, $0xE;
	v3 =	vmul.u32 $0x2710, v4  }
.Ltmp2:
0xda: {  	v2 =	vand.u32 $0x3FFF, v2;
	[tilespmem:$0x230] =	vst v1;
	v1 =	vand.u32 $0x3FFF, v58;
	(pc) =	sbr.rel @p1 .LBB2_4-.Ltmp2, $4  }
0xdb: {  	[tilespmem:$0x430] =	vst v2;
	v2 =	vshrl.u32 v58, $0xE;
	v1 =	vadd.s32 v1, v3  }
0xdc: {  	v2 =	vand.u32 $0x3FFF, v2;
	[tilespmem:$0x240] =	vst v1  }
0xdd: {  	[tilespmem:$0x440] =	vst v2  }
0xde: {  	[tilespmem:s21], [sflag:$0x5] =	stream.indirect.gather [hbm4b:s4+s19], $0x80, s20, s19, $0xb8;
	[tilespmem:$0x1DE80] =	vst v63  }
0xdf: {  	s16 =	sadd.s32 $0x3C, s13  }
0xe0: {  	[tilespmem:s29], [sflag:$0x3] =	stream.linear.gather [hbm4b:s16+s3], $0x50, $0x38;
	[tilespmem:$0x1DE80] =	vst v63  }
0xe1: {  	_ =	swait.ge [sflag:s10], $0x2800  }
0xe2: {  	[sflag:s10] =	ssyncset.done $0x0  }
0xe3: {  	[sflag:s10] =	ssyncadd.s32 $0xFFFFD800  }
0xe4: {  	[spmem:s1] =	stream.indirect.scatter.add.f32 [tilespmem:s5], [sflag:$0xC], $0x80, s11, s19, $0xb8;
	[tilespmem:$0x1DE80] =	vst v63  }
0xe5: {  	_ =	swait.ge [sflag:s6], $0x2800  }
0xe6: {  	[sflag:s6] =	ssyncset.done $0x0  }
0xe7: {  	[sflag:s6] =	ssyncadd.s32 $0xFFFFD800  }
0xe8: {  	_ =	swait.ge [sflag:s22], $0x50  }
0xe9: {  	[sflag:s22] =	ssyncset.done $0x0  }
0xea: {  	[sflag:s22] =	ssyncadd.s32 $0xFFFFFFB0  }
0xeb: {  	v1 =	vld [tilespmem:$0x80];
	_ =	sdelay $0x2  }
0xec: {  	v2 =	vld [tilespmem:$0x90]  }
0xed: {  	v4 =	vld [tilespmem:$0xA0]  }
0xee: {  	v3 =	vshrl.u32 v1, $0x1B  }
0xef: {  	v6 =	vld [tilespmem:$0xB0];
	v3 =	vand.u32 $0x1E, v3  }
0xf0: {  	v8 =	vld [tilespmem:$0xC0];
	v3 =	vor.u32 v0, v3  }
0xf1: {  	v5 =	vshrl.u32 v1, $0xE;
	v3 =	vmul.u32 $0x2710, v3  }
0xf2: {  	v1 =	vand.u32 $0x3FFF, v1;
	v7 =	vshrl.u32 v2, $0x1B;
	v59 =	vshrl.u32 v4, $0x1B  }
0xf3: {  	v9 =	vand.u32 $0x3FFF, v2;
	v1 =	vadd.s32 v1, v3;
	v3 =	vand.u32 $0x1E, v7  }
0xf4: {  	v2 =	vshrl.u32 v2, $0xE;
	v60 =	vshrl.u32 v6, $0x1B;
	v3 =	vor.u32 v0, v3  }
0xf5: {  	v62 =	vshrl.u32 v8, $0x1B;
	v7 =	vand.u32 $0x1E, v59;
	v3 =	vmul.u32 $0x2710, v3  }
0xf6: {  	v5 =	vand.u32 $0x3FFF, v5;
	v7 =	vor.u32 v0, v7;
	[tilespmem:$0x280] =	vst v1;
	v1 =	vand.u32 $0x3FFF, v2  }
0xf7: {  	[tilespmem:$0x480] =	vst v5;
	v2 =	vmul.u32 $0x2710, v7;
	v7 =	vand.u32 $0x1E, v60;
	v3 =	vadd.s32 v9, v3  }
0xf8: {  	v61 =	vand.u32 $0x3FFF, v4;
	v63 =	vand.u32 $0x1E, v62;
	[tilespmem:$0x290] =	vst v3;
	v3 =	vor.u32 v0, v7  }
0xf9: {  	[tilespmem:$0x490] =	vst v1;
	v1 =	vshrl.u32 v4, $0xE;
	v2 =	vadd.s32 v61, v2;
	v3 =	vmul.u32 $0x2710, v3  }
0xfa: {  	v4 =	vor.u32 v0, v63;
	v1 =	vand.u32 $0x3FFF, v1;
	[tilespmem:$0x2A0] =	vst v2;
	v2 =	vand.u32 $0x3FFF, v6  }
0xfb: {  	[tilespmem:$0x4A0] =	vst v1;
	v1 =	vadd.s32 v2, v3;
	v2 =	vshrl.u32 v6, $0xE;
	v3 =	vmul.u32 $0x2710, v4  }
0xfc: {  	v2 =	vand.u32 $0x3FFF, v2;
	[tilespmem:$0x2B0] =	vst v1;
	v1 =	vand.u32 $0x3FFF, v8  }
0xfd: {  	[tilespmem:$0x4B0] =	vst v2;
	v2 =	vshrl.u32 v8, $0xE;
	v1 =	vadd.s32 v1, v3  }
.Ltmp3:
0xfe: {  	v2 =	vand.u32 $0x3FFF, v2;
	[tilespmem:$0x2C0] =	vst v1;
	(pc) =	sbr.rel .LBB2_2-.Ltmp3, $4  }
0xff: {  	s23 =	simm.s32 $0x280;
	[tilespmem:$0x4C0] =	vst v2  }
0x100: {  	[tilespmem:s24], [sflag:$0x6] =	stream.indirect.gather [hbm4b:s4+s19], $0x80, s23, s19, $0xb8;
	[tilespmem:$0x1DE80] =	vst v63  }
0x101: {  	s17 =	sadd.s32 $0x46, s13;
	s14 =	sadd.s32 $0x28, s14;
	s23 =	simm.s32 $0x180  }
0x102: {  	[tilespmem:s23], [sflag:$0x4] =	stream.linear.gather [hbm4b:s17+s3], $0x50, $0x38;
	[tilespmem:$0x1DE80] =	vst v63  }
.LBB2_5:
0x103: {  	_ =	sfence.sel $0x180000  }
0x104: {  	[bflag:$0x0] =	sbarrier.arrive $0xFFFF  }
0x105: {  	_ =	strace $0x90000047  }
0x106: {  	s0 =	stileid.u32;
	[bflag:$0x2] =	sbarrier.arrive $0xFFFF  }
0x107: {  	p0 =	sne.s32 s0, $0x0;
	s0 =	rddreg [dreg:$0x3]  }
0x108: {  	s0 =	sadd.s32 @!p0 $0x100000, s0  }
0x109: {  	[sflag:s0] =	ssyncadd.tile.s32 @!p0 $0x1;
	_ =	shalt  }
.Lfunc_end2:
_tile_overlayer_lowered:
.L_overlay_start_2:
0x10a: {  	(tag) =	ssettag $0x2  }
0x10b: {  	s0 =	rddreg [dreg:$0x0];
	s2 =	stileid.u32  }
0x10c: {  	s1 =	rddreg [dreg:$0x1];
	p0 =	sne.s32 s2, $0x0  }
0x10d: {  	s3 =	rddreg [dreg:$0x2];
	[bflag:$0x3] =	sbarrier.arrive $0xFFFF;
	s2 =	simm.s32 @!p0 $0x1C0D  }
0x10e: {  	[timem:s3], [sflag:s2] =	dma.local @!p0 [hbm:s0], s1  }
0x10f: {  	s0 =	simm.s32 @!p0 $0xD  }
0x110: {  	_ =	swait.ge @!p0 [sflag:s0], s1  }
0x111: {  	s1 =	ssub.s32 @!p0 $0x0, s1;
	[sflag:s0] =	ssyncset.done @!p0 $0x0  }
0x112: {  	[sflag:s0] =	ssyncadd.s32 @!p0 s1  }
0x113: {  	[bflag:$0x3] =	sbarrier.arrive $0xFFFF  }
0x114: {  	_ =	shalt  }

</sc_bundles>
